<compile_context>
chip_gen: v7x
topology: tpu7x:2x2x1
jax: 0.10.2.dev20260603
libtpu: 0.0.44.dev20260713+nightly
codegen_flags: <defaults>
</compile_context>

<pallas_src>
import jax
import jax.numpy as jnp
from jax.experimental import pallas as pl
from jax.experimental.pallas import tpu as pltpu

NB = 16
NA = 3
NC = 80
G = 76
C = NC + 5
P = G * G
STRIDE = 608.0 / G
ANCHOR_W = (10.0, 16.0, 33.0)
ANCHOR_H = (13.0, 30.0, 23.0)


def _decode_body(x_ref, o_hbm, buf, sems):
    b = pl.program_id(0)
    par = b % 2

    @pl.when(b >= 2)
    def _wait_prev():
        for a in range(NA):
            pltpu.make_async_copy(
                buf.at[par, a], o_hbm.at[b - 2, a], sems.at[par, a]).wait()

    pcol = jax.lax.broadcasted_iota(jnp.int32, (1, P), 1)
    gyi = pcol // G
    gy = gyi.astype(jnp.float32)
    gx = (pcol - G * gyi).astype(jnp.float32)
    row = jax.lax.broadcasted_iota(jnp.int32, (8, P), 0)

    for a in range(NA):
        v = x_ref[0, a]
        top = v[0:8, :]
        sig_top = 0.5 + 0.5 * jnp.tanh(top * 0.5)
        e_top = jnp.exp(top)
        val = jnp.where((row == 2) | (row == 3), e_top, sig_top)
        scale = jnp.where(
            row <= 1, STRIDE,
            jnp.where(row == 2, ANCHOR_W[a],
                      jnp.where(row == 3, ANCHOR_H[a], 1.0)))
        bias = jnp.where(row == 0, gx * STRIDE,
                         jnp.where(row == 1, gy * STRIDE, 0.0))
        top_out = val * scale + bias
        bottom = 0.5 + 0.5 * jnp.tanh(v[8:, :] * 0.5)
        out = jnp.concatenate([top_out, bottom], axis=0)
        buf[par, a] = out.T
        pltpu.make_async_copy(
            buf.at[par, a], o_hbm.at[b, a], sems.at[par, a]).start()

    @pl.when(b == NB - 1)
    def _drain():
        for a in range(NA):
            pltpu.make_async_copy(
                buf.at[1 - par, a], o_hbm.at[b - 1, a],
                sems.at[1 - par, a]).wait()
            pltpu.make_async_copy(
                buf.at[par, a], o_hbm.at[b, a], sems.at[par, a]).wait()


def kernel(x):
    xr = x.reshape(NB, NA, C, P)
    out = pl.pallas_call(
        _decode_body,
        grid=(NB,),
        in_specs=[pl.BlockSpec((1, NA, C, P), lambda b: (b, 0, 0, 0))],
        out_specs=pl.BlockSpec(memory_space=pltpu.MemorySpace.HBM),
        out_shape=jax.ShapeDtypeStruct((NB, NA, P, C), jnp.float32),
        scratch_shapes=[
            pltpu.VMEM((2, NA, P, C), jnp.float32),
            pltpu.SemaphoreType.DMA((2, NA)),
        ],
        compiler_params=pltpu.CompilerParams(
            dimension_semantics=("arbitrary",),
        ),
    )(xr)
    return out.reshape(NB, NA * P, C)

# --- scband reference (transcript-rebuilt; emitter-appended) ---
"""Pipeline reference for scband-gaussian-yololayer-57526791963199 (READ-ONLY COPY).

The authoritative reference and input builder live on the scoring server;
editing this copy changes nothing except your own understanding.
"""

import jax, jax.numpy as jnp
import numpy as np

NB = 16
NA = 3
NC = 80
G = 76
IMG_DIM = 608.0
ANCHORS = np.array([[10.0, 13.0], [16.0, 30.0], [33.0, 23.0]], dtype=np.float32)


def setup_inputs(seed: int = 0) -> dict:
    key = jax.random.key(seed)
    x = jax.random.normal(key, (NB, NA * (NC + 5), G, G), dtype=jnp.float32)
    return {"x": x}


def reference(x):
    # Faithful JAX translation of the YOLOLayer inference forward
    # (https://github.com/eriklindernoren/PyTorch-YOLOv3), targets=None path.
    stride = IMG_DIM / G
    prediction = x.reshape(NB, NA, NC + 5, G, G).transpose(0, 1, 3, 4, 2)
    xc = jax.nn.sigmoid(prediction[..., 0])
    yc = jax.nn.sigmoid(prediction[..., 1])
    w = prediction[..., 2]
    h = prediction[..., 3]
    pred_conf = jax.nn.sigmoid(prediction[..., 4])
    pred_cls = jax.nn.sigmoid(prediction[..., 5:])
    # grid offsets (compute_grid_offsets)
    grid_x = jnp.arange(G, dtype=jnp.float32).reshape(1, 1, 1, G)
    grid_y = jnp.arange(G, dtype=jnp.float32).reshape(1, 1, G, 1)
    scaled_anchors = jnp.asarray(ANCHORS) / stride
    anchor_w = scaled_anchors[:, 0].reshape(1, NA, 1, 1)
    anchor_h = scaled_anchors[:, 1].reshape(1, NA, 1, 1)
    pb_x = xc + grid_x
    pb_y = yc + grid_y
    pb_w = jnp.exp(w) * anchor_w
    pb_h = jnp.exp(h) * anchor_h
    pred_boxes = jnp.stack([pb_x, pb_y, pb_w, pb_h], axis=-1)
    output = jnp.concatenate(
        [
            pred_boxes.reshape(NB, -1, 4) * stride,
            pred_conf.reshape(NB, -1, 1),
            pred_cls.reshape(NB, -1, NC),
        ],
        axis=-1,
    )
    return output

if __name__ == "__main__":
    import jax
    _d = setup_inputs()
    print(jax.jit(kernel)(*tuple(_d.values())))

</pallas_src>

<mosaic_0001>
module attributes {stable_mosaic.version = 14 : i64} {
  func.func @_decode_body(%arg0: i32, %arg1: memref<1x3x85x5776xf32, #tpu.memory_space<vmem>>, %arg2: memref<16x3x5776x85xf32, #tpu.memory_space<hbm>>, %arg3: memref<2x3x5776x85xf32, #tpu.memory_space<vmem>>, %arg4: memref<2x3x!tpu.dma_semaphore, #tpu.memory_space<semaphore_mem>>) attributes {dimension_semantics = [#tpu.dimension_semantics<arbitrary>], iteration_bounds = array<i64: 16>, scalar_prefetch = 0 : i64, scratch_operands = 2 : i64, tpu.core_type = #tpu.core_type<tc>, window_params = [{transform_indices = @transform_0, window_bounds = array<i64: 1, 3, 85, 5776>}, {}]} {
    %jit3A = arith.constant 2 : i32
    %eq3A = arith.constant 0 : i32
    %eq3A_0 = arith.cmpi eq, %jit3A, %eq3A : i32
    %jit3A_1 = arith.constant 1 : i32
    %select_n3A = arith.select %eq3A_0, %jit3A_1, %jit3A : i32
    %rem3A = arith.remsi %arg0, %select_n3A : i32
    %ne3A = arith.constant 0 : i32
    %ne3A_2 = arith.cmpi ne, %rem3A, %ne3A : i32
    %lt3A = arith.constant 0 : i32
    %lt3A_3 = arith.cmpi slt, %rem3A, %lt3A : i32
    %lt3A_4 = arith.constant 0 : i32
    %lt3A_5 = arith.cmpi slt, %select_n3A, %lt3A_4 : i32
    %ne3A_6 = arith.xori %lt3A_3, %lt3A_5 : i1
    %and3A = arith.andi %ne3A_6, %ne3A_2 : i1
    %add3A = arith.addi %rem3A, %select_n3A : i32
    %select_n3A_7 = arith.select %and3A, %add3A, %rem3A : i32
    %ge3A = arith.constant 2 : i32
    %ge3A_8 = arith.cmpi sge, %arg0, %ge3A : i32
    %convert_element_type3A = arith.extui %ge3A_8 : i1 to i32
    %cond3A = arith.constant 0 : i32
    %cond3A_9 = arith.cmpi ne, %convert_element_type3A, %cond3A : i32
    scf.if %cond3A_9 {
      %sub3A_341 = arith.constant 2 : i32
      %sub3A_342 = arith.subi %arg0, %sub3A_341 : i32
      %dma_wait3A = arith.constant 0 : i32
      %dma_wait3A_343 = arith.constant 0 : i32
      %dma_wait3A_344 = arith.constant 0 : i32
      %dma_wait3A_345 = tpu.memref_slice %arg4[%select_n3A_7, %dma_wait3A_344] : memref<2x3x!tpu.dma_semaphore, #tpu.memory_space<semaphore_mem>> -> memref<1x1x!tpu.dma_semaphore, #tpu.memory_space<semaphore_mem>>
      %dma_wait3A_346 = tpu.memref_squeeze %dma_wait3A_345 : memref<1x1x!tpu.dma_semaphore, #tpu.memory_space<semaphore_mem>> -> memref<!tpu.dma_semaphore, #tpu.memory_space<semaphore_mem>>
      %dma_wait3A_347 = arith.constant 0 : i32
      %dma_wait3A_348 = arith.constant 0 : i32
      %dma_wait3A_349 = tpu.memref_slice %arg2[%sub3A_342, %dma_wait3A_343, %dma_wait3A_347, %dma_wait3A_348] : memref<16x3x5776x85xf32, #tpu.memory_space<hbm>> -> memref<1x1x5776x85xf32, #tpu.memory_space<hbm>>
      %dma_wait3A_350 = tpu.memref_squeeze %dma_wait3A_349 : memref<1x1x5776x85xf32, #tpu.memory_space<hbm>> -> memref<5776x85xf32, #tpu.memory_space<hbm>>
      %dma_wait3A_351 = arith.constant 0 : i32
      %dma_wait3A_352 = arith.constant 0 : i32
      %dma_wait3A_353 = tpu.memref_slice %arg3[%select_n3A_7, %dma_wait3A, %dma_wait3A_351, %dma_wait3A_352] : memref<2x3x5776x85xf32, #tpu.memory_space<vmem>> -> memref<1x1x5776x85xf32, #tpu.memory_space<vmem>>
      %dma_wait3A_354 = tpu.memref_squeeze %dma_wait3A_353 : memref<1x1x5776x85xf32, #tpu.memory_space<vmem>> -> memref<5776x85xf32, #tpu.memory_space<vmem>>
      tpu.wait_dma2 semaphore(%dma_wait3A_346 : memref<!tpu.dma_semaphore, #tpu.memory_space<semaphore_mem>>) src(%dma_wait3A_354 : memref<5776x85xf32, #tpu.memory_space<vmem>>) dst(%dma_wait3A_350 : memref<5776x85xf32, #tpu.memory_space<hbm>>)
      %sub3A_355 = arith.constant 2 : i32
      %sub3A_356 = arith.subi %arg0, %sub3A_355 : i32
      %dma_wait3A_357 = arith.constant 1 : i32
      %dma_wait3A_358 = arith.constant 1 : i32
      %dma_wait3A_359 = arith.constant 1 : i32
      %dma_wait3A_360 = tpu.memref_slice %arg4[%select_n3A_7, %dma_wait3A_359] : memref<2x3x!tpu.dma_semaphore, #tpu.memory_space<semaphore_mem>> -> memref<1x1x!tpu.dma_semaphore, #tpu.memory_space<semaphore_mem>>
      %dma_wait3A_361 = tpu.memref_squeeze %dma_wait3A_360 : memref<1x1x!tpu.dma_semaphore, #tpu.memory_space<semaphore_mem>> -> memref<!tpu.dma_semaphore, #tpu.memory_space<semaphore_mem>>
      %dma_wait3A_362 = arith.constant 0 : i32
      %dma_wait3A_363 = arith.constant 0 : i32
      %dma_wait3A_364 = tpu.memref_slice %arg2[%sub3A_356, %dma_wait3A_358, %dma_wait3A_362, %dma_wait3A_363] : memref<16x3x5776x85xf32, #tpu.memory_space<hbm>> -> memref<1x1x5776x85xf32, #tpu.memory_space<hbm>>
      %dma_wait3A_365 = tpu.memref_squeeze %dma_wait3A_364 : memref<1x1x5776x85xf32, #tpu.memory_space<hbm>> -> memref<5776x85xf32, #tpu.memory_space<hbm>>
      %dma_wait3A_366 = arith.constant 0 : i32
      %dma_wait3A_367 = arith.constant 0 : i32
      %dma_wait3A_368 = tpu.memref_slice %arg3[%select_n3A_7, %dma_wait3A_357, %dma_wait3A_366, %dma_wait3A_367] : memref<2x3x5776x85xf32, #tpu.memory_space<vmem>> -> memref<1x1x5776x85xf32, #tpu.memory_space<vmem>>
      %dma_wait3A_369 = tpu.memref_squeeze %dma_wait3A_368 : memref<1x1x5776x85xf32, #tpu.memory_space<vmem>> -> memref<5776x85xf32, #tpu.memory_space<vmem>>
      tpu.wait_dma2 semaphore(%dma_wait3A_361 : memref<!tpu.dma_semaphore, #tpu.memory_space<semaphore_mem>>) src(%dma_wait3A_369 : memref<5776x85xf32, #tpu.memory_space<vmem>>) dst(%dma_wait3A_365 : memref<5776x85xf32, #tpu.memory_space<hbm>>)
      %sub3A_370 = arith.constant 2 : i32
      %sub3A_371 = arith.subi %arg0, %sub3A_370 : i32
      %dma_wait3A_372 = arith.constant 2 : i32
      %dma_wait3A_373 = arith.constant 2 : i32
      %dma_wait3A_374 = arith.constant 2 : i32
      %dma_wait3A_375 = tpu.memref_slice %arg4[%select_n3A_7, %dma_wait3A_374] : memref<2x3x!tpu.dma_semaphore, #tpu.memory_space<semaphore_mem>> -> memref<1x1x!tpu.dma_semaphore, #tpu.memory_space<semaphore_mem>>
      %dma_wait3A_376 = tpu.memref_squeeze %dma_wait3A_375 : memref<1x1x!tpu.dma_semaphore, #tpu.memory_space<semaphore_mem>> -> memref<!tpu.dma_semaphore, #tpu.memory_space<semaphore_mem>>
      %dma_wait3A_377 = arith.constant 0 : i32
      %dma_wait3A_378 = arith.constant 0 : i32
      %dma_wait3A_379 = tpu.memref_slice %arg2[%sub3A_371, %dma_wait3A_373, %dma_wait3A_377, %dma_wait3A_378] : memref<16x3x5776x85xf32, #tpu.memory_space<hbm>> -> memref<1x1x5776x85xf32, #tpu.memory_space<hbm>>
      %dma_wait3A_380 = tpu.memref_squeeze %dma_wait3A_379 : memref<1x1x5776x85xf32, #tpu.memory_space<hbm>> -> memref<5776x85xf32, #tpu.memory_space<hbm>>
      %dma_wait3A_381 = arith.constant 0 : i32
      %dma_wait3A_382 = arith.constant 0 : i32
      %dma_wait3A_383 = tpu.memref_slice %arg3[%select_n3A_7, %dma_wait3A_372, %dma_wait3A_381, %dma_wait3A_382] : memref<2x3x5776x85xf32, #tpu.memory_space<vmem>> -> memref<1x1x5776x85xf32, #tpu.memory_space<vmem>>
      %dma_wait3A_384 = tpu.memref_squeeze %dma_wait3A_383 : memref<1x1x5776x85xf32, #tpu.memory_space<vmem>> -> memref<5776x85xf32, #tpu.memory_space<vmem>>
      tpu.wait_dma2 semaphore(%dma_wait3A_376 : memref<!tpu.dma_semaphore, #tpu.memory_space<semaphore_mem>>) src(%dma_wait3A_384 : memref<5776x85xf32, #tpu.memory_space<vmem>>) dst(%dma_wait3A_380 : memref<5776x85xf32, #tpu.memory_space<hbm>>)
    } else {
    }
    %iota3A = tpu.iota {dimensions = array<i32: 1>} : vector<1x5776xi32>
    %jit3A_10 = arith.constant 76 : i32
    %div3A = vector.broadcast %jit3A_10 : i32 to vector<1x5776xi32>
    %div3A_11 = arith.divsi %iota3A, %div3A : vector<1x5776xi32>
    %sign3A = arith.constant 0 : i32
    %sign3A_12 = vector.broadcast %sign3A : i32 to vector<1x5776xi32>
    %sign3A_13 = arith.cmpi sgt, %iota3A, %sign3A_12 : vector<1x5776xi32>
    %sign3A_14 = arith.extui %sign3A_13 : vector<1x5776xi1> to vector<1x5776xi32>
    %sign3A_15 = arith.constant 0 : i32
    %sign3A_16 = vector.broadcast %sign3A_15 : i32 to vector<1x5776xi32>
    %sign3A_17 = arith.cmpi slt, %iota3A, %sign3A_16 : vector<1x5776xi32>
    %sign3A_18 = arith.extui %sign3A_17 : vector<1x5776xi1> to vector<1x5776xi32>
    %sign3A_19 = arith.subi %sign3A_14, %sign3A_18 : vector<1x5776xi32>
    %sign3A_20 = arith.constant 0 : i32
    %sign3A_21 = arith.cmpi sgt, %jit3A_10, %sign3A_20 : i32
    %sign3A_22 = arith.extui %sign3A_21 : i1 to i32
    %sign3A_23 = arith.constant 0 : i32
    %sign3A_24 = arith.cmpi slt, %jit3A_10, %sign3A_23 : i32
    %sign3A_25 = arith.extui %sign3A_24 : i1 to i32
    %sign3A_26 = arith.subi %sign3A_22, %sign3A_25 : i32
    %ne3A_27 = vector.broadcast %sign3A_26 : i32 to vector<1x5776xi32>
    %ne3A_28 = arith.cmpi ne, %sign3A_19, %ne3A_27 : vector<1x5776xi32>
    %rem3A_29 = vector.broadcast %jit3A_10 : i32 to vector<1x5776xi32>
    %rem3A_30 = arith.remsi %iota3A, %rem3A_29 : vector<1x5776xi32>
    %ne3A_31 = arith.constant 0 : i32
    %ne3A_32 = vector.broadcast %ne3A_31 : i32 to vector<1x5776xi32>
    %ne3A_33 = arith.cmpi ne, %rem3A_30, %ne3A_32 : vector<1x5776xi32>
    %and3A_34 = arith.andi %ne3A_28, %ne3A_33 : vector<1x5776xi1>
    %sub3A = arith.constant 1 : i32
    %sub3A_35 = vector.broadcast %sub3A : i32 to vector<1x5776xi32>
    %sub3A_36 = arith.subi %div3A_11, %sub3A_35 : vector<1x5776xi32>
    %select_n3A_37 = arith.select %and3A_34, %sub3A_36, %div3A_11 : vector<1x5776xi1>, vector<1x5776xi32>
    %convert_element_type3A_38 = arith.sitofp %select_n3A_37 : vector<1x5776xi32> to vector<1x5776xf32>
    %mul3A = arith.constant 76 : i32
    %mul3A_39 = vector.broadcast %mul3A : i32 to vector<1x5776xi32>
    %mul3A_40 = arith.muli %mul3A_39, %select_n3A_37 : vector<1x5776xi32>
    %sub3A_41 = arith.subi %iota3A, %mul3A_40 : vector<1x5776xi32>
    %convert_element_type3A_42 = arith.sitofp %sub3A_41 : vector<1x5776xi32> to vector<1x5776xf32>
    %iota3A_43 = tpu.iota {dimensions = array<i32: 0>} : vector<8x5776xi32>
    %get3A = arith.constant 0 : index
    %get3A_44 = arith.constant 0 : index
    %get3A_45 = arith.constant 0 : index
    %get3A_46 = arith.constant 0 : index
    %get3A_47 = vector.load %arg1[%get3A, %get3A_44, %get3A_45, %get3A_46] : memref<1x3x85x5776xf32, #tpu.memory_space<vmem>>, vector<1x1x85x5776xf32>
    %get3A_48 = vector.shape_cast %get3A_47 : vector<1x1x85x5776xf32> to vector<85x5776xf32>
    %slice3A = vector.extract_strided_slice %get3A_48 {offsets = [0, 0], sizes = [8, 5776], strides = [1, 1]} : vector<85x5776xf32> to vector<8x5776xf32>
    %mul3A_49 = arith.constant 5.000000e-01 : f32
    %mul3A_50 = vector.broadcast %mul3A_49 : f32 to vector<8x5776xf32>
    %mul3A_51 = arith.mulf %slice3A, %mul3A_50 : vector<8x5776xf32>
    %tanh3A = math.tanh %mul3A_51 : vector<8x5776xf32>
    %mul3A_52 = arith.constant 5.000000e-01 : f32
    %mul3A_53 = vector.broadcast %mul3A_52 : f32 to vector<8x5776xf32>
    %mul3A_54 = arith.mulf %mul3A_53, %tanh3A : vector<8x5776xf32>
    %add3A_55 = arith.constant 5.000000e-01 : f32
    %add3A_56 = vector.broadcast %add3A_55 : f32 to vector<8x5776xf32>
    %add3A_57 = arith.addf %add3A_56, %mul3A_54 : vector<8x5776xf32>
    %exp3A = math.exp %slice3A : vector<8x5776xf32>
    %eq3A_58 = arith.constant 2 : i32
    %eq3A_59 = vector.broadcast %eq3A_58 : i32 to vector<8x5776xi32>
    %eq3A_60 = arith.cmpi eq, %iota3A_43, %eq3A_59 : vector<8x5776xi32>
    %eq3A_61 = arith.constant 3 : i32
    %eq3A_62 = vector.broadcast %eq3A_61 : i32 to vector<8x5776xi32>
    %eq3A_63 = arith.cmpi eq, %iota3A_43, %eq3A_62 : vector<8x5776xi32>
    %or3A = arith.ori %eq3A_60, %eq3A_63 : vector<8x5776xi1>
    %select_n3A_64 = arith.select %or3A, %exp3A, %add3A_57 : vector<8x5776xi1>, vector<8x5776xf32>
    %le3A = arith.constant 1 : i32
    %le3A_65 = vector.broadcast %le3A : i32 to vector<8x5776xi32>
    %le3A_66 = arith.cmpi sle, %iota3A_43, %le3A_65 : vector<8x5776xi32>
    %eq3A_67 = arith.constant 2 : i32
    %eq3A_68 = vector.broadcast %eq3A_67 : i32 to vector<8x5776xi32>
    %eq3A_69 = arith.cmpi eq, %iota3A_43, %eq3A_68 : vector<8x5776xi32>
    %eq3A_70 = arith.constant 3 : i32
    %eq3A_71 = vector.broadcast %eq3A_70 : i32 to vector<8x5776xi32>
    %eq3A_72 = arith.cmpi eq, %iota3A_43, %eq3A_71 : vector<8x5776xi32>
    %jit3A_73 = arith.constant 1.300000e+01 : f32
    %jit3A_74 = arith.constant 1.000000e+00 : f32
    %broadcast_in_dim3A = vector.broadcast %jit3A_73 : f32 to vector<8x5776xf32>
    %broadcast_in_dim3A_75 = vector.broadcast %jit3A_74 : f32 to vector<8x5776xf32>
    %select_n3A_76 = arith.select %eq3A_72, %broadcast_in_dim3A, %broadcast_in_dim3A_75 : vector<8x5776xi1>, vector<8x5776xf32>
    %jit3A_77 = arith.constant 1.000000e+01 : f32
    %broadcast_in_dim3A_78 = vector.broadcast %jit3A_77 : f32 to vector<8x5776xf32>
    %select_n3A_79 = arith.select %eq3A_69, %broadcast_in_dim3A_78, %select_n3A_76 : vector<8x5776xi1>, vector<8x5776xf32>
    %jit3A_80 = arith.constant 8.000000e+00 : f32
    %broadcast_in_dim3A_81 = vector.broadcast %jit3A_80 : f32 to vector<8x5776xf32>
    %select_n3A_82 = arith.select %le3A_66, %broadcast_in_dim3A_81, %select_n3A_79 : vector<8x5776xi1>, vector<8x5776xf32>
    %eq3A_83 = arith.constant 0 : i32
    %eq3A_84 = vector.broadcast %eq3A_83 : i32 to vector<8x5776xi32>
    %eq3A_85 = arith.cmpi eq, %iota3A_43, %eq3A_84 : vector<8x5776xi32>
    %mul3A_86 = arith.constant 8.000000e+00 : f32
    %mul3A_87 = vector.broadcast %mul3A_86 : f32 to vector<1x5776xf32>
    %mul3A_88 = arith.mulf %convert_element_type3A_42, %mul3A_87 : vector<1x5776xf32>
    %eq3A_89 = arith.constant 1 : i32
    %eq3A_90 = vector.broadcast %eq3A_89 : i32 to vector<8x5776xi32>
    %eq3A_91 = arith.cmpi eq, %iota3A_43, %eq3A_90 : vector<8x5776xi32>
    %mul3A_92 = arith.constant 8.000000e+00 : f32
    %mul3A_93 = vector.broadcast %mul3A_92 : f32 to vector<1x5776xf32>
    %mul3A_94 = arith.mulf %convert_element_type3A_38, %mul3A_93 : vector<1x5776xf32>
    %jit3A_95 = arith.constant 0.000000e+00 : f32
    %broadcast_in_dim3A_96 = vector.shape_cast %mul3A_94 : vector<1x5776xf32> to vector<1x5776xf32>
    %broadcast_in_dim3A_97 = vector.broadcast %broadcast_in_dim3A_96 : vector<1x5776xf32> to vector<8x5776xf32>
    %broadcast_in_dim3A_98 = vector.broadcast %jit3A_95 : f32 to vector<8x5776xf32>
    %select_n3A_99 = arith.select %eq3A_91, %broadcast_in_dim3A_97, %broadcast_in_dim3A_98 : vector<8x5776xi1>, vector<8x5776xf32>
    %broadcast_in_dim3A_100 = vector.shape_cast %mul3A_88 : vector<1x5776xf32> to vector<1x5776xf32>
    %broadcast_in_dim3A_101 = vector.broadcast %broadcast_in_dim3A_100 : vector<1x5776xf32> to vector<8x5776xf32>
    %select_n3A_102 = arith.select %eq3A_85, %broadcast_in_dim3A_101, %select_n3A_99 : vector<8x5776xi1>, vector<8x5776xf32>
    %mul3A_103 = arith.mulf %select_n3A_64, %select_n3A_82 : vector<8x5776xf32>
    %add3A_104 = arith.addf %mul3A_103, %select_n3A_102 : vector<8x5776xf32>
    %slice3A_105 = vector.extract_strided_slice %get3A_48 {offsets = [8, 0], sizes = [77, 5776], strides = [1, 1]} : vector<85x5776xf32> to vector<77x5776xf32>
    %mul3A_106 = arith.constant 5.000000e-01 : f32
    %mul3A_107 = vector.broadcast %mul3A_106 : f32 to vector<77x5776xf32>
    %mul3A_108 = arith.mulf %slice3A_105, %mul3A_107 : vector<77x5776xf32>
    %tanh3A_109 = math.tanh %mul3A_108 : vector<77x5776xf32>
    %mul3A_110 = arith.constant 5.000000e-01 : f32
    %mul3A_111 = vector.broadcast %mul3A_110 : f32 to vector<77x5776xf32>
    %mul3A_112 = arith.mulf %mul3A_111, %tanh3A_109 : vector<77x5776xf32>
    %add3A_113 = arith.constant 5.000000e-01 : f32
    %add3A_114 = vector.broadcast %add3A_113 : f32 to vector<77x5776xf32>
    %add3A_115 = arith.addf %add3A_114, %mul3A_112 : vector<77x5776xf32>
    %concatenate3A = tpu.concatenate %add3A_104, %add3A_115 in 0 : vector<8x5776xf32>, vector<77x5776xf32> -> vector<85x5776xf32>
    %transpose3A = tpu.transpose %concatenate3A, [1, 0] : vector<85x5776xf32> -> vector<5776x85xf32>
    %swap3A = arith.index_cast %select_n3A_7 : i32 to index
    %swap3A_116 = arith.constant 0 : index
    %swap3A_117 = arith.constant 0 : index
    %swap3A_118 = arith.constant 0 : index
    %swap3A_119 = vector.load %arg3[%swap3A, %swap3A_116, %swap3A_117, %swap3A_118] : memref<2x3x5776x85xf32, #tpu.memory_space<vmem>>, vector<1x1x5776x85xf32>
    %swap3A_120 = vector.shape_cast %swap3A_119 : vector<1x1x5776x85xf32> to vector<5776x85xf32>
    %swap3A_121 = vector.shape_cast %transpose3A : vector<5776x85xf32> to vector<1x1x5776x85xf32>
    tpu.vector_store %arg3[%swap3A, %swap3A_116, %swap3A_117, %swap3A_118], %swap3A_121 {strides = array<i32>} : memref<2x3x5776x85xf32, #tpu.memory_space<vmem>>, vector<1x1x5776x85xf32>,
    %dma_start3A = arith.constant 0 : i32
    %dma_start3A_122 = arith.constant 0 : i32
    %dma_start3A_123 = arith.constant 0 : i32
    %dma_start3A_124 = tpu.memref_slice %arg4[%select_n3A_7, %dma_start3A_123] : memref<2x3x!tpu.dma_semaphore, #tpu.memory_space<semaphore_mem>> -> memref<1x1x!tpu.dma_semaphore, #tpu.memory_space<semaphore_mem>>
    %dma_start3A_125 = tpu.memref_squeeze %dma_start3A_124 : memref<1x1x!tpu.dma_semaphore, #tpu.memory_space<semaphore_mem>> -> memref<!tpu.dma_semaphore, #tpu.memory_space<semaphore_mem>>
    %dma_start3A_126 = arith.constant 0 : i32
    %dma_start3A_127 = arith.constant 0 : i32
    %dma_start3A_128 = tpu.memref_slice %arg2[%arg0, %dma_start3A_122, %dma_start3A_126, %dma_start3A_127] : memref<16x3x5776x85xf32, #tpu.memory_space<hbm>> -> memref<1x1x5776x85xf32, #tpu.memory_space<hbm>>
    %dma_start3A_129 = tpu.memref_squeeze %dma_start3A_128 : memref<1x1x5776x85xf32, #tpu.memory_space<hbm>> -> memref<5776x85xf32, #tpu.memory_space<hbm>>
    %dma_start3A_130 = arith.constant 0 : i32
    %dma_start3A_131 = arith.constant 0 : i32
    %dma_start3A_132 = tpu.memref_slice %arg3[%select_n3A_7, %dma_start3A, %dma_start3A_130, %dma_start3A_131] : memref<2x3x5776x85xf32, #tpu.memory_space<vmem>> -> memref<1x1x5776x85xf32, #tpu.memory_space<vmem>>
    %dma_start3A_133 = tpu.memref_squeeze %dma_start3A_132 : memref<1x1x5776x85xf32, #tpu.memory_space<vmem>> -> memref<5776x85xf32, #tpu.memory_space<vmem>>
    tpu.enqueue_dma source(%dma_start3A_133 : memref<5776x85xf32, #tpu.memory_space<vmem>>) target(%dma_start3A_129 : memref<5776x85xf32, #tpu.memory_space<hbm>>) target_semaphore(%dma_start3A_125 : memref<!tpu.dma_semaphore, #tpu.memory_space<semaphore_mem>>)
    %get3A_134 = arith.constant 0 : index
    %get3A_135 = arith.constant 1 : index
    %get3A_136 = arith.constant 0 : index
    %get3A_137 = arith.constant 0 : index
    %get3A_138 = vector.load %arg1[%get3A_134, %get3A_135, %get3A_136, %get3A_137] : memref<1x3x85x5776xf32, #tpu.memory_space<vmem>>, vector<1x1x85x5776xf32>
    %get3A_139 = vector.shape_cast %get3A_138 : vector<1x1x85x5776xf32> to vector<85x5776xf32>
    %slice3A_140 = vector.extract_strided_slice %get3A_139 {offsets = [0, 0], sizes = [8, 5776], strides = [1, 1]} : vector<85x5776xf32> to vector<8x5776xf32>
    %mul3A_141 = arith.constant 5.000000e-01 : f32
    %mul3A_142 = vector.broadcast %mul3A_141 : f32 to vector<8x5776xf32>
    %mul3A_143 = arith.mulf %slice3A_140, %mul3A_142 : vector<8x5776xf32>
    %tanh3A_144 = math.tanh %mul3A_143 : vector<8x5776xf32>
    %mul3A_145 = arith.constant 5.000000e-01 : f32
    %mul3A_146 = vector.broadcast %mul3A_145 : f32 to vector<8x5776xf32>
    %mul3A_147 = arith.mulf %mul3A_146, %tanh3A_144 : vector<8x5776xf32>
    %add3A_148 = arith.constant 5.000000e-01 : f32
    %add3A_149 = vector.broadcast %add3A_148 : f32 to vector<8x5776xf32>
    %add3A_150 = arith.addf %add3A_149, %mul3A_147 : vector<8x5776xf32>
    %exp3A_151 = math.exp %slice3A_140 : vector<8x5776xf32>
    %eq3A_152 = arith.constant 2 : i32
    %eq3A_153 = vector.broadcast %eq3A_152 : i32 to vector<8x5776xi32>
    %eq3A_154 = arith.cmpi eq, %iota3A_43, %eq3A_153 : vector<8x5776xi32>
    %eq3A_155 = arith.constant 3 : i32
    %eq3A_156 = vector.broadcast %eq3A_155 : i32 to vector<8x5776xi32>
    %eq3A_157 = arith.cmpi eq, %iota3A_43, %eq3A_156 : vector<8x5776xi32>
    %or3A_158 = arith.ori %eq3A_154, %eq3A_157 : vector<8x5776xi1>
    %select_n3A_159 = arith.select %or3A_158, %exp3A_151, %add3A_150 : vector<8x5776xi1>, vector<8x5776xf32>
    %le3A_160 = arith.constant 1 : i32
    %le3A_161 = vector.broadcast %le3A_160 : i32 to vector<8x5776xi32>
    %le3A_162 = arith.cmpi sle, %iota3A_43, %le3A_161 : vector<8x5776xi32>
    %eq3A_163 = arith.constant 2 : i32
    %eq3A_164 = vector.broadcast %eq3A_163 : i32 to vector<8x5776xi32>
    %eq3A_165 = arith.cmpi eq, %iota3A_43, %eq3A_164 : vector<8x5776xi32>
    %eq3A_166 = arith.constant 3 : i32
    %eq3A_167 = vector.broadcast %eq3A_166 : i32 to vector<8x5776xi32>
    %eq3A_168 = arith.cmpi eq, %iota3A_43, %eq3A_167 : vector<8x5776xi32>
    %jit3A_169 = arith.constant 3.000000e+01 : f32
    %jit3A_170 = arith.constant 1.000000e+00 : f32
    %broadcast_in_dim3A_171 = vector.broadcast %jit3A_169 : f32 to vector<8x5776xf32>
    %broadcast_in_dim3A_172 = vector.broadcast %jit3A_170 : f32 to vector<8x5776xf32>
    %select_n3A_173 = arith.select %eq3A_168, %broadcast_in_dim3A_171, %broadcast_in_dim3A_172 : vector<8x5776xi1>, vector<8x5776xf32>
    %jit3A_174 = arith.constant 1.600000e+01 : f32
    %broadcast_in_dim3A_175 = vector.broadcast %jit3A_174 : f32 to vector<8x5776xf32>
    %select_n3A_176 = arith.select %eq3A_165, %broadcast_in_dim3A_175, %select_n3A_173 : vector<8x5776xi1>, vector<8x5776xf32>
    %jit3A_177 = arith.constant 8.000000e+00 : f32
    %broadcast_in_dim3A_178 = vector.broadcast %jit3A_177 : f32 to vector<8x5776xf32>
    %select_n3A_179 = arith.select %le3A_162, %broadcast_in_dim3A_178, %select_n3A_176 : vector<8x5776xi1>, vector<8x5776xf32>
    %eq3A_180 = arith.constant 0 : i32
    %eq3A_181 = vector.broadcast %eq3A_180 : i32 to vector<8x5776xi32>
    %eq3A_182 = arith.cmpi eq, %iota3A_43, %eq3A_181 : vector<8x5776xi32>
    %mul3A_183 = arith.constant 8.000000e+00 : f32
    %mul3A_184 = vector.broadcast %mul3A_183 : f32 to vector<1x5776xf32>
    %mul3A_185 = arith.mulf %convert_element_type3A_42, %mul3A_184 : vector<1x5776xf32>
    %eq3A_186 = arith.constant 1 : i32
    %eq3A_187 = vector.broadcast %eq3A_186 : i32 to vector<8x5776xi32>
    %eq3A_188 = arith.cmpi eq, %iota3A_43, %eq3A_187 : vector<8x5776xi32>
    %mul3A_189 = arith.constant 8.000000e+00 : f32
    %mul3A_190 = vector.broadcast %mul3A_189 : f32 to vector<1x5776xf32>
    %mul3A_191 = arith.mulf %convert_element_type3A_38, %mul3A_190 : vector<1x5776xf32>
    %jit3A_192 = arith.constant 0.000000e+00 : f32
    %broadcast_in_dim3A_193 = vector.shape_cast %mul3A_191 : vector<1x5776xf32> to vector<1x5776xf32>
    %broadcast_in_dim3A_194 = vector.broadcast %broadcast_in_dim3A_193 : vector<1x5776xf32> to vector<8x5776xf32>
    %broadcast_in_dim3A_195 = vector.broadcast %jit3A_192 : f32 to vector<8x5776xf32>
    %select_n3A_196 = arith.select %eq3A_188, %broadcast_in_dim3A_194, %broadcast_in_dim3A_195 : vector<8x5776xi1>, vector<8x5776xf32>
    %broadcast_in_dim3A_197 = vector.shape_cast %mul3A_185 : vector<1x5776xf32> to vector<1x5776xf32>
    %broadcast_in_dim3A_198 = vector.broadcast %broadcast_in_dim3A_197 : vector<1x5776xf32> to vector<8x5776xf32>
    %select_n3A_199 = arith.select %eq3A_182, %broadcast_in_dim3A_198, %select_n3A_196 : vector<8x5776xi1>, vector<8x5776xf32>
    %mul3A_200 = arith.mulf %select_n3A_159, %select_n3A_179 : vector<8x5776xf32>
    %add3A_201 = arith.addf %mul3A_200, %select_n3A_199 : vector<8x5776xf32>
    %slice3A_202 = vector.extract_strided_slice %get3A_139 {offsets = [8, 0], sizes = [77, 5776], strides = [1, 1]} : vector<85x5776xf32> to vector<77x5776xf32>
    %mul3A_203 = arith.constant 5.000000e-01 : f32
    %mul3A_204 = vector.broadcast %mul3A_203 : f32 to vector<77x5776xf32>
    %mul3A_205 = arith.mulf %slice3A_202, %mul3A_204 : vector<77x5776xf32>
    %tanh3A_206 = math.tanh %mul3A_205 : vector<77x5776xf32>
    %mul3A_207 = arith.constant 5.000000e-01 : f32
    %mul3A_208 = vector.broadcast %mul3A_207 : f32 to vector<77x5776xf32>
    %mul3A_209 = arith.mulf %mul3A_208, %tanh3A_206 : vector<77x5776xf32>
    %add3A_210 = arith.constant 5.000000e-01 : f32
    %add3A_211 = vector.broadcast %add3A_210 : f32 to vector<77x5776xf32>
    %add3A_212 = arith.addf %add3A_211, %mul3A_209 : vector<77x5776xf32>
    %concatenate3A_213 = tpu.concatenate %add3A_201, %add3A_212 in 0 : vector<8x5776xf32>, vector<77x5776xf32> -> vector<85x5776xf32>
    %transpose3A_214 = tpu.transpose %concatenate3A_213, [1, 0] : vector<85x5776xf32> -> vector<5776x85xf32>
    %swap3A_215 = arith.index_cast %select_n3A_7 : i32 to index
    %swap3A_216 = arith.constant 1 : index
    %swap3A_217 = arith.constant 0 : index
    %swap3A_218 = arith.constant 0 : index
    %swap3A_219 = vector.load %arg3[%swap3A_215, %swap3A_216, %swap3A_217, %swap3A_218] : memref<2x3x5776x85xf32, #tpu.memory_space<vmem>>, vector<1x1x5776x85xf32>
    %swap3A_220 = vector.shape_cast %swap3A_219 : vector<1x1x5776x85xf32> to vector<5776x85xf32>
    %swap3A_221 = vector.shape_cast %transpose3A_214 : vector<5776x85xf32> to vector<1x1x5776x85xf32>
    tpu.vector_store %arg3[%swap3A_215, %swap3A_216, %swap3A_217, %swap3A_218], %swap3A_221 {strides = array<i32>} : memref<2x3x5776x85xf32, #tpu.memory_space<vmem>>, vector<1x1x5776x85xf32>,
    %dma_start3A_222 = arith.constant 1 : i32
    %dma_start3A_223 = arith.constant 1 : i32
    %dma_start3A_224 = arith.constant 1 : i32
    %dma_start3A_225 = tpu.memref_slice %arg4[%select_n3A_7, %dma_start3A_224] : memref<2x3x!tpu.dma_semaphore, #tpu.memory_space<semaphore_mem>> -> memref<1x1x!tpu.dma_semaphore, #tpu.memory_space<semaphore_mem>>
    %dma_start3A_226 = tpu.memref_squeeze %dma_start3A_225 : memref<1x1x!tpu.dma_semaphore, #tpu.memory_space<semaphore_mem>> -> memref<!tpu.dma_semaphore, #tpu.memory_space<semaphore_mem>>
    %dma_start3A_227 = arith.constant 0 : i32
    %dma_start3A_228 = arith.constant 0 : i32
    %dma_start3A_229 = tpu.memref_slice %arg2[%arg0, %dma_start3A_223, %dma_start3A_227, %dma_start3A_228] : memref<16x3x5776x85xf32, #tpu.memory_space<hbm>> -> memref<1x1x5776x85xf32, #tpu.memory_space<hbm>>
    %dma_start3A_230 = tpu.memref_squeeze %dma_start3A_229 : memref<1x1x5776x85xf32, #tpu.memory_space<hbm>> -> memref<5776x85xf32, #tpu.memory_space<hbm>>
    %dma_start3A_231 = arith.constant 0 : i32
    %dma_start3A_232 = arith.constant 0 : i32
    %dma_start3A_233 = tpu.memref_slice %arg3[%select_n3A_7, %dma_start3A_222, %dma_start3A_231, %dma_start3A_232] : memref<2x3x5776x85xf32, #tpu.memory_space<vmem>> -> memref<1x1x5776x85xf32, #tpu.memory_space<vmem>>
    %dma_start3A_234 = tpu.memref_squeeze %dma_start3A_233 : memref<1x1x5776x85xf32, #tpu.memory_space<vmem>> -> memref<5776x85xf32, #tpu.memory_space<vmem>>
    tpu.enqueue_dma source(%dma_start3A_234 : memref<5776x85xf32, #tpu.memory_space<vmem>>) target(%dma_start3A_230 : memref<5776x85xf32, #tpu.memory_space<hbm>>) target_semaphore(%dma_start3A_226 : memref<!tpu.dma_semaphore, #tpu.memory_space<semaphore_mem>>)
    %get3A_235 = arith.constant 0 : index
    %get3A_236 = arith.constant 2 : index
    %get3A_237 = arith.constant 0 : index
    %get3A_238 = arith.constant 0 : index
    %get3A_239 = vector.load %arg1[%get3A_235, %get3A_236, %get3A_237, %get3A_238] : memref<1x3x85x5776xf32, #tpu.memory_space<vmem>>, vector<1x1x85x5776xf32>
    %get3A_240 = vector.shape_cast %get3A_239 : vector<1x1x85x5776xf32> to vector<85x5776xf32>
    %slice3A_241 = vector.extract_strided_slice %get3A_240 {offsets = [0, 0], sizes = [8, 5776], strides = [1, 1]} : vector<85x5776xf32> to vector<8x5776xf32>
    %mul3A_242 = arith.constant 5.000000e-01 : f32
    %mul3A_243 = vector.broadcast %mul3A_242 : f32 to vector<8x5776xf32>
    %mul3A_244 = arith.mulf %slice3A_241, %mul3A_243 : vector<8x5776xf32>
    %tanh3A_245 = math.tanh %mul3A_244 : vector<8x5776xf32>
    %mul3A_246 = arith.constant 5.000000e-01 : f32
    %mul3A_247 = vector.broadcast %mul3A_246 : f32 to vector<8x5776xf32>
    %mul3A_248 = arith.mulf %mul3A_247, %tanh3A_245 : vector<8x5776xf32>
    %add3A_249 = arith.constant 5.000000e-01 : f32
    %add3A_250 = vector.broadcast %add3A_249 : f32 to vector<8x5776xf32>
    %add3A_251 = arith.addf %add3A_250, %mul3A_248 : vector<8x5776xf32>
    %exp3A_252 = math.exp %slice3A_241 : vector<8x5776xf32>
    %eq3A_253 = arith.constant 2 : i32
    %eq3A_254 = vector.broadcast %eq3A_253 : i32 to vector<8x5776xi32>
    %eq3A_255 = arith.cmpi eq, %iota3A_43, %eq3A_254 : vector<8x5776xi32>
    %eq3A_256 = arith.constant 3 : i32
    %eq3A_257 = vector.broadcast %eq3A_256 : i32 to vector<8x5776xi32>
    %eq3A_258 = arith.cmpi eq, %iota3A_43, %eq3A_257 : vector<8x5776xi32>
    %or3A_259 = arith.ori %eq3A_255, %eq3A_258 : vector<8x5776xi1>
    %select_n3A_260 = arith.select %or3A_259, %exp3A_252, %add3A_251 : vector<8x5776xi1>, vector<8x5776xf32>
    %le3A_261 = arith.constant 1 : i32
    %le3A_262 = vector.broadcast %le3A_261 : i32 to vector<8x5776xi32>
    %le3A_263 = arith.cmpi sle, %iota3A_43, %le3A_262 : vector<8x5776xi32>
    %eq3A_264 = arith.constant 2 : i32
    %eq3A_265 = vector.broadcast %eq3A_264 : i32 to vector<8x5776xi32>
    %eq3A_266 = arith.cmpi eq, %iota3A_43, %eq3A_265 : vector<8x5776xi32>
    %eq3A_267 = arith.constant 3 : i32
    %eq3A_268 = vector.broadcast %eq3A_267 : i32 to vector<8x5776xi32>
    %eq3A_269 = arith.cmpi eq, %iota3A_43, %eq3A_268 : vector<8x5776xi32>
    %jit3A_270 = arith.constant 2.300000e+01 : f32
    %jit3A_271 = arith.constant 1.000000e+00 : f32
    %broadcast_in_dim3A_272 = vector.broadcast %jit3A_270 : f32 to vector<8x5776xf32>
    %broadcast_in_dim3A_273 = vector.broadcast %jit3A_271 : f32 to vector<8x5776xf32>
    %select_n3A_274 = arith.select %eq3A_269, %broadcast_in_dim3A_272, %broadcast_in_dim3A_273 : vector<8x5776xi1>, vector<8x5776xf32>
    %jit3A_275 = arith.constant 3.300000e+01 : f32
    %broadcast_in_dim3A_276 = vector.broadcast %jit3A_275 : f32 to vector<8x5776xf32>
    %select_n3A_277 = arith.select %eq3A_266, %broadcast_in_dim3A_276, %select_n3A_274 : vector<8x5776xi1>, vector<8x5776xf32>
    %jit3A_278 = arith.constant 8.000000e+00 : f32
    %broadcast_in_dim3A_279 = vector.broadcast %jit3A_278 : f32 to vector<8x5776xf32>
    %select_n3A_280 = arith.select %le3A_263, %broadcast_in_dim3A_279, %select_n3A_277 : vector<8x5776xi1>, vector<8x5776xf32>
    %eq3A_281 = arith.constant 0 : i32
    %eq3A_282 = vector.broadcast %eq3A_281 : i32 to vector<8x5776xi32>
    %eq3A_283 = arith.cmpi eq, %iota3A_43, %eq3A_282 : vector<8x5776xi32>
    %mul3A_284 = arith.constant 8.000000e+00 : f32
    %mul3A_285 = vector.broadcast %mul3A_284 : f32 to vector<1x5776xf32>
    %mul3A_286 = arith.mulf %convert_element_type3A_42, %mul3A_285 : vector<1x5776xf32>
    %eq3A_287 = arith.constant 1 : i32
    %eq3A_288 = vector.broadcast %eq3A_287 : i32 to vector<8x5776xi32>
    %eq3A_289 = arith.cmpi eq, %iota3A_43, %eq3A_288 : vector<8x5776xi32>
    %mul3A_290 = arith.constant 8.000000e+00 : f32
    %mul3A_291 = vector.broadcast %mul3A_290 : f32 to vector<1x5776xf32>
    %mul3A_292 = arith.mulf %convert_element_type3A_38, %mul3A_291 : vector<1x5776xf32>
    %jit3A_293 = arith.constant 0.000000e+00 : f32
    %broadcast_in_dim3A_294 = vector.shape_cast %mul3A_292 : vector<1x5776xf32> to vector<1x5776xf32>
    %broadcast_in_dim3A_295 = vector.broadcast %broadcast_in_dim3A_294 : vector<1x5776xf32> to vector<8x5776xf32>
    %broadcast_in_dim3A_296 = vector.broadcast %jit3A_293 : f32 to vector<8x5776xf32>
    %select_n3A_297 = arith.select %eq3A_289, %broadcast_in_dim3A_295, %broadcast_in_dim3A_296 : vector<8x5776xi1>, vector<8x5776xf32>
    %broadcast_in_dim3A_298 = vector.shape_cast %mul3A_286 : vector<1x5776xf32> to vector<1x5776xf32>
    %broadcast_in_dim3A_299 = vector.broadcast %broadcast_in_dim3A_298 : vector<1x5776xf32> to vector<8x5776xf32>
    %select_n3A_300 = arith.select %eq3A_283, %broadcast_in_dim3A_299, %select_n3A_297 : vector<8x5776xi1>, vector<8x5776xf32>
    %mul3A_301 = arith.mulf %select_n3A_260, %select_n3A_280 : vector<8x5776xf32>
    %add3A_302 = arith.addf %mul3A_301, %select_n3A_300 : vector<8x5776xf32>
    %slice3A_303 = vector.extract_strided_slice %get3A_240 {offsets = [8, 0], sizes = [77, 5776], strides = [1, 1]} : vector<85x5776xf32> to vector<77x5776xf32>
    %mul3A_304 = arith.constant 5.000000e-01 : f32
    %mul3A_305 = vector.broadcast %mul3A_304 : f32 to vector<77x5776xf32>
    %mul3A_306 = arith.mulf %slice3A_303, %mul3A_305 : vector<77x5776xf32>
    %tanh3A_307 = math.tanh %mul3A_306 : vector<77x5776xf32>
    %mul3A_308 = arith.constant 5.000000e-01 : f32
    %mul3A_309 = vector.broadcast %mul3A_308 : f32 to vector<77x5776xf32>
    %mul3A_310 = arith.mulf %mul3A_309, %tanh3A_307 : vector<77x5776xf32>
    %add3A_311 = arith.constant 5.000000e-01 : f32
    %add3A_312 = vector.broadcast %add3A_311 : f32 to vector<77x5776xf32>
    %add3A_313 = arith.addf %add3A_312, %mul3A_310 : vector<77x5776xf32>
    %concatenate3A_314 = tpu.concatenate %add3A_302, %add3A_313 in 0 : vector<8x5776xf32>, vector<77x5776xf32> -> vector<85x5776xf32>
    %transpose3A_315 = tpu.transpose %concatenate3A_314, [1, 0] : vector<85x5776xf32> -> vector<5776x85xf32>
    %swap3A_316 = arith.index_cast %select_n3A_7 : i32 to index
    %swap3A_317 = arith.constant 2 : index
    %swap3A_318 = arith.constant 0 : index
    %swap3A_319 = arith.constant 0 : index
    %swap3A_320 = vector.load %arg3[%swap3A_316, %swap3A_317, %swap3A_318, %swap3A_319] : memref<2x3x5776x85xf32, #tpu.memory_space<vmem>>, vector<1x1x5776x85xf32>
    %swap3A_321 = vector.shape_cast %swap3A_320 : vector<1x1x5776x85xf32> to vector<5776x85xf32>
    %swap3A_322 = vector.shape_cast %transpose3A_315 : vector<5776x85xf32> to vector<1x1x5776x85xf32>
    tpu.vector_store %arg3[%swap3A_316, %swap3A_317, %swap3A_318, %swap3A_319], %swap3A_322 {strides = array<i32>} : memref<2x3x5776x85xf32, #tpu.memory_space<vmem>>, vector<1x1x5776x85xf32>,
    %dma_start3A_323 = arith.constant 2 : i32
    %dma_start3A_324 = arith.constant 2 : i32
    %dma_start3A_325 = arith.constant 2 : i32
    %dma_start3A_326 = tpu.memref_slice %arg4[%select_n3A_7, %dma_start3A_325] : memref<2x3x!tpu.dma_semaphore, #tpu.memory_space<semaphore_mem>> -> memref<1x1x!tpu.dma_semaphore, #tpu.memory_space<semaphore_mem>>
    %dma_start3A_327 = tpu.memref_squeeze %dma_start3A_326 : memref<1x1x!tpu.dma_semaphore, #tpu.memory_space<semaphore_mem>> -> memref<!tpu.dma_semaphore, #tpu.memory_space<semaphore_mem>>
    %dma_start3A_328 = arith.constant 0 : i32
    %dma_start3A_329 = arith.constant 0 : i32
    %dma_start3A_330 = tpu.memref_slice %arg2[%arg0, %dma_start3A_324, %dma_start3A_328, %dma_start3A_329] : memref<16x3x5776x85xf32, #tpu.memory_space<hbm>> -> memref<1x1x5776x85xf32, #tpu.memory_space<hbm>>
    %dma_start3A_331 = tpu.memref_squeeze %dma_start3A_330 : memref<1x1x5776x85xf32, #tpu.memory_space<hbm>> -> memref<5776x85xf32, #tpu.memory_space<hbm>>
    %dma_start3A_332 = arith.constant 0 : i32
    %dma_start3A_333 = arith.constant 0 : i32
    %dma_start3A_334 = tpu.memref_slice %arg3[%select_n3A_7, %dma_start3A_323, %dma_start3A_332, %dma_start3A_333] : memref<2x3x5776x85xf32, #tpu.memory_space<vmem>> -> memref<1x1x5776x85xf32, #tpu.memory_space<vmem>>
    %dma_start3A_335 = tpu.memref_squeeze %dma_start3A_334 : memref<1x1x5776x85xf32, #tpu.memory_space<vmem>> -> memref<5776x85xf32, #tpu.memory_space<vmem>>
    tpu.enqueue_dma source(%dma_start3A_335 : memref<5776x85xf32, #tpu.memory_space<vmem>>) target(%dma_start3A_331 : memref<5776x85xf32, #tpu.memory_space<hbm>>) target_semaphore(%dma_start3A_327 : memref<!tpu.dma_semaphore, #tpu.memory_space<semaphore_mem>>)
    %eq3A_336 = arith.constant 15 : i32
    %eq3A_337 = arith.cmpi eq, %arg0, %eq3A_336 : i32
    %convert_element_type3A_338 = arith.extui %eq3A_337 : i1 to i32
    %cond3A_339 = arith.constant 0 : i32
    %cond3A_340 = arith.cmpi ne, %convert_element_type3A_338, %cond3A_339 : i32
    scf.if %cond3A_340 {
      %sub3A_341 = arith.constant 1 : i32
      %sub3A_342 = arith.subi %sub3A_341, %select_n3A_7 : i32
      %sub3A_343 = arith.constant 1 : i32
      %sub3A_344 = arith.subi %arg0, %sub3A_343 : i32
      %sub3A_345 = arith.constant 1 : i32
      %sub3A_346 = arith.subi %sub3A_345, %select_n3A_7 : i32
      %dma_wait3A = arith.constant 0 : i32
      %dma_wait3A_347 = arith.constant 0 : i32
      %dma_wait3A_348 = arith.constant 0 : i32
      %dma_wait3A_349 = tpu.memref_slice %arg4[%sub3A_346, %dma_wait3A_348] : memref<2x3x!tpu.dma_semaphore, #tpu.memory_space<semaphore_mem>> -> memref<1x1x!tpu.dma_semaphore, #tpu.memory_space<semaphore_mem>>
      %dma_wait3A_350 = tpu.memref_squeeze %dma_wait3A_349 : memref<1x1x!tpu.dma_semaphore, #tpu.memory_space<semaphore_mem>> -> memref<!tpu.dma_semaphore, #tpu.memory_space<semaphore_mem>>
      %dma_wait3A_351 = arith.constant 0 : i32
      %dma_wait3A_352 = arith.constant 0 : i32
      %dma_wait3A_353 = tpu.memref_slice %arg2[%sub3A_344, %dma_wait3A_347, %dma_wait3A_351, %dma_wait3A_352] : memref<16x3x5776x85xf32, #tpu.memory_space<hbm>> -> memref<1x1x5776x85xf32, #tpu.memory_space<hbm>>
      %dma_wait3A_354 = tpu.memref_squeeze %dma_wait3A_353 : memref<1x1x5776x85xf32, #tpu.memory_space<hbm>> -> memref<5776x85xf32, #tpu.memory_space<hbm>>
      %dma_wait3A_355 = arith.constant 0 : i32
      %dma_wait3A_356 = arith.constant 0 : i32
      %dma_wait3A_357 = tpu.memref_slice %arg3[%sub3A_342, %dma_wait3A, %dma_wait3A_355, %dma_wait3A_356] : memref<2x3x5776x85xf32, #tpu.memory_space<vmem>> -> memref<1x1x5776x85xf32, #tpu.memory_space<vmem>>
      %dma_wait3A_358 = tpu.memref_squeeze %dma_wait3A_357 : memref<1x1x5776x85xf32, #tpu.memory_space<vmem>> -> memref<5776x85xf32, #tpu.memory_space<vmem>>
      tpu.wait_dma2 semaphore(%dma_wait3A_350 : memref<!tpu.dma_semaphore, #tpu.memory_space<semaphore_mem>>) src(%dma_wait3A_358 : memref<5776x85xf32, #tpu.memory_space<vmem>>) dst(%dma_wait3A_354 : memref<5776x85xf32, #tpu.memory_space<hbm>>)
      %dma_wait3A_359 = arith.constant 0 : i32
      %dma_wait3A_360 = arith.constant 0 : i32
      %dma_wait3A_361 = arith.constant 0 : i32
      %dma_wait3A_362 = tpu.memref_slice %arg4[%select_n3A_7, %dma_wait3A_361] : memref<2x3x!tpu.dma_semaphore, #tpu.memory_space<semaphore_mem>> -> memref<1x1x!tpu.dma_semaphore, #tpu.memory_space<semaphore_mem>>
      %dma_wait3A_363 = tpu.memref_squeeze %dma_wait3A_362 : memref<1x1x!tpu.dma_semaphore, #tpu.memory_space<semaphore_mem>> -> memref<!tpu.dma_semaphore, #tpu.memory_space<semaphore_mem>>
      %dma_wait3A_364 = arith.constant 0 : i32
      %dma_wait3A_365 = arith.constant 0 : i32
      %dma_wait3A_366 = tpu.memref_slice %arg2[%arg0, %dma_wait3A_360, %dma_wait3A_364, %dma_wait3A_365] : memref<16x3x5776x85xf32, #tpu.memory_space<hbm>> -> memref<1x1x5776x85xf32, #tpu.memory_space<hbm>>
      %dma_wait3A_367 = tpu.memref_squeeze %dma_wait3A_366 : memref<1x1x5776x85xf32, #tpu.memory_space<hbm>> -> memref<5776x85xf32, #tpu.memory_space<hbm>>
      %dma_wait3A_368 = arith.constant 0 : i32
      %dma_wait3A_369 = arith.constant 0 : i32
      %dma_wait3A_370 = tpu.memref_slice %arg3[%select_n3A_7, %dma_wait3A_359, %dma_wait3A_368, %dma_wait3A_369] : memref<2x3x5776x85xf32, #tpu.memory_space<vmem>> -> memref<1x1x5776x85xf32, #tpu.memory_space<vmem>>
      %dma_wait3A_371 = tpu.memref_squeeze %dma_wait3A_370 : memref<1x1x5776x85xf32, #tpu.memory_space<vmem>> -> memref<5776x85xf32, #tpu.memory_space<vmem>>
      tpu.wait_dma2 semaphore(%dma_wait3A_363 : memref<!tpu.dma_semaphore, #tpu.memory_space<semaphore_mem>>) src(%dma_wait3A_371 : memref<5776x85xf32, #tpu.memory_space<vmem>>) dst(%dma_wait3A_367 : memref<5776x85xf32, #tpu.memory_space<hbm>>)
      %sub3A_372 = arith.constant 1 : i32
      %sub3A_373 = arith.subi %sub3A_372, %select_n3A_7 : i32
      %sub3A_374 = arith.constant 1 : i32
      %sub3A_375 = arith.subi %arg0, %sub3A_374 : i32
      %sub3A_376 = arith.constant 1 : i32
      %sub3A_377 = arith.subi %sub3A_376, %select_n3A_7 : i32
      %dma_wait3A_378 = arith.constant 1 : i32
      %dma_wait3A_379 = arith.constant 1 : i32
      %dma_wait3A_380 = arith.constant 1 : i32
      %dma_wait3A_381 = tpu.memref_slice %arg4[%sub3A_377, %dma_wait3A_380] : memref<2x3x!tpu.dma_semaphore, #tpu.memory_space<semaphore_mem>> -> memref<1x1x!tpu.dma_semaphore, #tpu.memory_space<semaphore_mem>>
      %dma_wait3A_382 = tpu.memref_squeeze %dma_wait3A_381 : memref<1x1x!tpu.dma_semaphore, #tpu.memory_space<semaphore_mem>> -> memref<!tpu.dma_semaphore, #tpu.memory_space<semaphore_mem>>
      %dma_wait3A_383 = arith.constant 0 : i32
      %dma_wait3A_384 = arith.constant 0 : i32
      %dma_wait3A_385 = tpu.memref_slice %arg2[%sub3A_375, %dma_wait3A_379, %dma_wait3A_383, %dma_wait3A_384] : memref<16x3x5776x85xf32, #tpu.memory_space<hbm>> -> memref<1x1x5776x85xf32, #tpu.memory_space<hbm>>
      %dma_wait3A_386 = tpu.memref_squeeze %dma_wait3A_385 : memref<1x1x5776x85xf32, #tpu.memory_space<hbm>> -> memref<5776x85xf32, #tpu.memory_space<hbm>>
      %dma_wait3A_387 = arith.constant 0 : i32
      %dma_wait3A_388 = arith.constant 0 : i32
      %dma_wait3A_389 = tpu.memref_slice %arg3[%sub3A_373, %dma_wait3A_378, %dma_wait3A_387, %dma_wait3A_388] : memref<2x3x5776x85xf32, #tpu.memory_space<vmem>> -> memref<1x1x5776x85xf32, #tpu.memory_space<vmem>>
      %dma_wait3A_390 = tpu.memref_squeeze %dma_wait3A_389 : memref<1x1x5776x85xf32, #tpu.memory_space<vmem>> -> memref<5776x85xf32, #tpu.memory_space<vmem>>
      tpu.wait_dma2 semaphore(%dma_wait3A_382 : memref<!tpu.dma_semaphore, #tpu.memory_space<semaphore_mem>>) src(%dma_wait3A_390 : memref<5776x85xf32, #tpu.memory_space<vmem>>) dst(%dma_wait3A_386 : memref<5776x85xf32, #tpu.memory_space<hbm>>)
      %dma_wait3A_391 = arith.constant 1 : i32
      %dma_wait3A_392 = arith.constant 1 : i32
      %dma_wait3A_393 = arith.constant 1 : i32
      %dma_wait3A_394 = tpu.memref_slice %arg4[%select_n3A_7, %dma_wait3A_393] : memref<2x3x!tpu.dma_semaphore, #tpu.memory_space<semaphore_mem>> -> memref<1x1x!tpu.dma_semaphore, #tpu.memory_space<semaphore_mem>>
      %dma_wait3A_395 = tpu.memref_squeeze %dma_wait3A_394 : memref<1x1x!tpu.dma_semaphore, #tpu.memory_space<semaphore_mem>> -> memref<!tpu.dma_semaphore, #tpu.memory_space<semaphore_mem>>
      %dma_wait3A_396 = arith.constant 0 : i32
      %dma_wait3A_397 = arith.constant 0 : i32
      %dma_wait3A_398 = tpu.memref_slice %arg2[%arg0, %dma_wait3A_392, %dma_wait3A_396, %dma_wait3A_397] : memref<16x3x5776x85xf32, #tpu.memory_space<hbm>> -> memref<1x1x5776x85xf32, #tpu.memory_space<hbm>>
      %dma_wait3A_399 = tpu.memref_squeeze %dma_wait3A_398 : memref<1x1x5776x85xf32, #tpu.memory_space<hbm>> -> memref<5776x85xf32, #tpu.memory_space<hbm>>
      %dma_wait3A_400 = arith.constant 0 : i32
      %dma_wait3A_401 = arith.constant 0 : i32
      %dma_wait3A_402 = tpu.memref_slice %arg3[%select_n3A_7, %dma_wait3A_391, %dma_wait3A_400, %dma_wait3A_401] : memref<2x3x5776x85xf32, #tpu.memory_space<vmem>> -> memref<1x1x5776x85xf32, #tpu.memory_space<vmem>>
      %dma_wait3A_403 = tpu.memref_squeeze %dma_wait3A_402 : memref<1x1x5776x85xf32, #tpu.memory_space<vmem>> -> memref<5776x85xf32, #tpu.memory_space<vmem>>
      tpu.wait_dma2 semaphore(%dma_wait3A_395 : memref<!tpu.dma_semaphore, #tpu.memory_space<semaphore_mem>>) src(%dma_wait3A_403 : memref<5776x85xf32, #tpu.memory_space<vmem>>) dst(%dma_wait3A_399 : memref<5776x85xf32, #tpu.memory_space<hbm>>)
      %sub3A_404 = arith.constant 1 : i32
      %sub3A_405 = arith.subi %sub3A_404, %select_n3A_7 : i32
      %sub3A_406 = arith.constant 1 : i32
      %sub3A_407 = arith.subi %arg0, %sub3A_406 : i32
      %sub3A_408 = arith.constant 1 : i32
      %sub3A_409 = arith.subi %sub3A_408, %select_n3A_7 : i32
      %dma_wait3A_410 = arith.constant 2 : i32
      %dma_wait3A_411 = arith.constant 2 : i32
      %dma_wait3A_412 = arith.constant 2 : i32
      %dma_wait3A_413 = tpu.memref_slice %arg4[%sub3A_409, %dma_wait3A_412] : memref<2x3x!tpu.dma_semaphore, #tpu.memory_space<semaphore_mem>> -> memref<1x1x!tpu.dma_semaphore, #tpu.memory_space<semaphore_mem>>
      %dma_wait3A_414 = tpu.memref_squeeze %dma_wait3A_413 : memref<1x1x!tpu.dma_semaphore, #tpu.memory_space<semaphore_mem>> -> memref<!tpu.dma_semaphore, #tpu.memory_space<semaphore_mem>>
      %dma_wait3A_415 = arith.constant 0 : i32
      %dma_wait3A_416 = arith.constant 0 : i32
      %dma_wait3A_417 = tpu.memref_slice %arg2[%sub3A_407, %dma_wait3A_411, %dma_wait3A_415, %dma_wait3A_416] : memref<16x3x5776x85xf32, #tpu.memory_space<hbm>> -> memref<1x1x5776x85xf32, #tpu.memory_space<hbm>>
      %dma_wait3A_418 = tpu.memref_squeeze %dma_wait3A_417 : memref<1x1x5776x85xf32, #tpu.memory_space<hbm>> -> memref<5776x85xf32, #tpu.memory_space<hbm>>
      %dma_wait3A_419 = arith.constant 0 : i32
      %dma_wait3A_420 = arith.constant 0 : i32
      %dma_wait3A_421 = tpu.memref_slice %arg3[%sub3A_405, %dma_wait3A_410, %dma_wait3A_419, %dma_wait3A_420] : memref<2x3x5776x85xf32, #tpu.memory_space<vmem>> -> memref<1x1x5776x85xf32, #tpu.memory_space<vmem>>
      %dma_wait3A_422 = tpu.memref_squeeze %dma_wait3A_421 : memref<1x1x5776x85xf32, #tpu.memory_space<vmem>> -> memref<5776x85xf32, #tpu.memory_space<vmem>>
      tpu.wait_dma2 semaphore(%dma_wait3A_414 : memref<!tpu.dma_semaphore, #tpu.memory_space<semaphore_mem>>) src(%dma_wait3A_422 : memref<5776x85xf32, #tpu.memory_space<vmem>>) dst(%dma_wait3A_418 : memref<5776x85xf32, #tpu.memory_space<hbm>>)
      %dma_wait3A_423 = arith.constant 2 : i32
      %dma_wait3A_424 = arith.constant 2 : i32
      %dma_wait3A_425 = arith.constant 2 : i32
      %dma_wait3A_426 = tpu.memref_slice %arg4[%select_n3A_7, %dma_wait3A_425] : memref<2x3x!tpu.dma_semaphore, #tpu.memory_space<semaphore_mem>> -> memref<1x1x!tpu.dma_semaphore, #tpu.memory_space<semaphore_mem>>
      %dma_wait3A_427 = tpu.memref_squeeze %dma_wait3A_426 : memref<1x1x!tpu.dma_semaphore, #tpu.memory_space<semaphore_mem>> -> memref<!tpu.dma_semaphore, #tpu.memory_space<semaphore_mem>>
      %dma_wait3A_428 = arith.constant 0 : i32
      %dma_wait3A_429 = arith.constant 0 : i32
      %dma_wait3A_430 = tpu.memref_slice %arg2[%arg0, %dma_wait3A_424, %dma_wait3A_428, %dma_wait3A_429] : memref<16x3x5776x85xf32, #tpu.memory_space<hbm>> -> memref<1x1x5776x85xf32, #tpu.memory_space<hbm>>
      %dma_wait3A_431 = tpu.memref_squeeze %dma_wait3A_430 : memref<1x1x5776x85xf32, #tpu.memory_space<hbm>> -> memref<5776x85xf32, #tpu.memory_space<hbm>>
      %dma_wait3A_432 = arith.constant 0 : i32
      %dma_wait3A_433 = arith.constant 0 : i32
      %dma_wait3A_434 = tpu.memref_slice %arg3[%select_n3A_7, %dma_wait3A_423, %dma_wait3A_432, %dma_wait3A_433] : memref<2x3x5776x85xf32, #tpu.memory_space<vmem>> -> memref<1x1x5776x85xf32, #tpu.memory_space<vmem>>
      %dma_wait3A_435 = tpu.memref_squeeze %dma_wait3A_434 : memref<1x1x5776x85xf32, #tpu.memory_space<vmem>> -> memref<5776x85xf32, #tpu.memory_space<vmem>>
      tpu.wait_dma2 semaphore(%dma_wait3A_427 : memref<!tpu.dma_semaphore, #tpu.memory_space<semaphore_mem>>) src(%dma_wait3A_435 : memref<5776x85xf32, #tpu.memory_space<vmem>>) dst(%dma_wait3A_431 : memref<5776x85xf32, #tpu.memory_space<hbm>>)
    } else {
    }
    return
  }
  func.func @transform_0(%arg0: i32) -> (i32, i32, i32, i32) {
    %c0_i32 = arith.constant 0 : i32
    %c0_i32_0 = arith.constant 0 : i32
    %c0_i32_1 = arith.constant 0 : i32
    %c0_i32_2 = arith.constant 0 : i32
    return %arg0, %c0_i32, %c0_i32_0, %c0_i32_1 : i32, i32, i32, i32
  }
}

</mosaic_0001>

<sc_bundles>
// kernel: sparse-core-data-format-call.cloned.1.call-start
scs
called_computation_lowered:
.L_overlay_start_0:
0x0: {  	s2 =	sld [smem:$0x3FD9]  }
0x1: {  	s3 =	sld [smem:$0x3FFE];
	_ =	sdelay $0x1  }
0x2: {  	s1 =	srdreg.scid  }
0x3: {  	s0 =	sand.u32 $0x1, s1  }
0x4: {  	s18 =	sshll.u32 s0, $0xA;
	s2 =	sadd.s32 s3, s2  }
0x5: {  	s2 =	sadd.s32 s2, s18  }
0x6: {  	[smem:$0x3FC7] =	sst s2  }
0x7: {  	_ = 	snop  }
0x8: {  	s2 =	sld [smem:$0x3FD0];
	(tm) =	ssettm $0x1  }
0x9: {  	s19 =	sld [smem:$0x3FFB];
	_ =	sdelay $0x3  }
0xa: {  	_ =	strace s19  }
0xb: {  	s3 =	sld [smem:$0x3FFC];
	_ =	sdelay $0x3  }
0xc: {  	_ =	strace s3  }
0xd: {  	s3 =	sld [smem:$0x3FFD];
	_ =	sdelay $0x3  }
0xe: {  	_ =	strace s3  }
0xf: {  	_ =	strace $0x8FFFFFFF  }
0x10: {  	s20 =	sld [smem:$0x3FDB];
	_ =	sdelay $0x1  }
0x11: {  	s4 =	simm.s32 $_scs_section_size  }
0x12: {  	s5 =	simm.s32 $_size__tile_overlayer_lowered;
	s6 =	simm.s32 $_tile_overlayer_lowered  }
0x13: {  	s23 =	simm.s32 $0x1BFF;
	s22 =	sshll.u32 s6, $0x1;
	s3 =	sadd.s32 s4, s20  }
0x14: {  	s7 =	simm.s32 $0x0;
	s21 =	sshll.u32 s5, $0x1;
	s5 =	sadd.s32 s22, s3  }
0x15: {  	[timem:s7], [sflag:s23] =	dma.local [hbm:s5], s21  }
0x16: {  	_ =	swait.ge [sflag:s23], s21  }
0x17: {  	s4 =	ssub.s32 $0x0, s21;
	[sflag:s23] =	ssyncset.done $0x0  }
0x18: {  	[sflag:s23] =	ssyncadd.s32 s4;
	_ =	sdelay $0x1  }
0x19: {  	s24 =	simm.s32 $0x1B8B  }
0x1a: {  	_ =	swait.ge [sflag:s24], $0x1  }
0x1b: {  	[sflag:s24] =	ssyncset.done $0x0  }
0x1c: {  	s26 =	simm.s32 $0x1B8E;
	s25 =	sld [smem:$0x3FFE];
	[sflag:s24] =	ssyncadd.s32 $0xFFFFFFFF  }
0x1d: {  	s27 =	simm.s32 $execute0_lowered;
	[smem:$0x3FD2] =	sst s26  }
0x1e: {  	s5 =	sshll.u32 s27, $0x1;
	_ =	strace $0x80000046;
	[dreg:$0x1] =	wrdreg $0xFFFFFFFF  }
0x1f: {  	s28 =	simm.s32 $_size_execute0_lowered;
	s3 =	sadd.s32 s3, s5;
	[dreg:$0x0] =	wrdreg $0x0  }
0x20: {  	s5 =	sshll.u32 s28, $0x1;
	[dreg:$0x2] =	wrdreg s3  }
0x21: {  	[dreg:$0x3] =	wrdreg s5  }
0x22: {  	[dreg:$0x4] =	wrdreg $0xC0  }
0x23: {  	_ =	task [dreg:s7], $0x5FFFF  }
0x24: {  	[dreg:$0x1] =	wrdreg $0xFFFFFFFF  }
0x25: {  	[dreg:$0x0] =	wrdreg $0x60  }
0x26: {  	[dreg:$0x2] =	wrdreg s25  }
0x27: {  	[dreg:$0x3] =	wrdreg s2  }
0x28: {  	[dreg:$0x4] =	wrdreg $0x9  }
0x29: {  	_ =	task.clear_ibuf [dreg:s7], $0x5FFFF;
	_ =	strace $0x90000046  }
0x2a: {  	s29 =	simm.s32 $0x9;
	_ =	strace $0x80000048  }
0x2b: {  	_ =	swait.ge [sflag:s29], $0x1  }
0x2c: {  	[sflag:s29] =	ssyncadd.s32 $0xFFFFFFFF  }
0x2d: {  	_ =	strace $0x90000048  }
0x2e: {  	_ =	sfence  }
0x2f: {  	s30 =	sld [smem:$0x0];
	_ =	sdelay $0x2  }
0x30: {  	s31 =	sshll.u32 s1, $0xD;
	s1 =	sshrl.u32 s1, $0x2  }
0x31: {  	s3 =	sand.u32 $0x4000, s31;
	s1 =	sadd.s32 s1, s30  }
0x32: {  	s0 =	sor.u32 s3, s0;
	s1 =	sshll.u32 s1, $0x11  }
0x33: {  	s0 =	sor.u32 s1, s0  }
0x34: {  	s0 =	sadd.s32 $0x8F2B, s0  }
0x35: {  	[sflag:s0] =	ssyncadd.remote.s32 $0x1  }
0x36: {  	_ =	sfence.sel $0xFFFF  }
0x37: {  	[dreg:$0x0] =	wrdreg $0xFFFFFFFF;
	(pc) =	sbr.abs _section_cstart, $3  }
0x38: {  	[dreg:$0x1] =	wrdreg $0xFFFFFFFF  }
0x39: {  	_ =	task.clear_ibuf [dreg:s7], $0x2FFFF;
	_ =	strace $0x9FFFFFFF  }
0x3a: {  	(tm) =	ssettm $0x7FFFFFFF  }
0x3b: {  	_ =	shalt  }
tec
execute0_lowered:
.L_overlay_start_1:
0x0: {  	(tag) =	ssettag $0x1  }
0x1: {  	s0 =	rddreg [dreg:$0x0];
	_ =	strace $0x80000047  }
0x2: {  	s17 =	stileid.u32;
	s31 =	srdreg.scid;
	s4 =	simm.s32 $0x1  }
.Ltmp0:
0x3: {  	s2 =	simm.s32 $0x2;
	s12 =	simm.s32 $0x0;
	(pc) =	sbr.rel .LBB1_1-.Ltmp0, $4  }
0x4: {  	s13 =	simm.s32 $0x0;
	s8 =	simm.s32 $0x0;
	s10 =	simm.s32 $0x0  }
0x5: {  	s11 =	stileid.u32;
	s3 =	sadd.s32 $0x400, s0;
	s0 =	sshll.u32 s31, $0x7  }
0x6: {  	s7 =	simm.s32 $0x0;
	[sflag:s4] =	ssyncpa.u1 $0x0;
	s5 =	sand.u32 $0x80, s0  }
0x7: {  	s21 =	simm.s32 $0x0;
	[sflag:s2] =	ssyncpa.u1 $0x0;
	s9 =	smov.u32 s5  }
.LBB1_11:
0x8: {  	s0 =	sshrl.u32 s10, $0x3;
	s1 =	sshll.u32 s8, $0x3  }
0x9: {  	s2 =	sshll.u32 s10, $0x7;
	s6 =	sand.u32 $0x7F, s8;
	s0 =	smul.u32 $0x22000, s0  }
0xa: {  	p0 =	sgt.s32 s8, $0x4380;
	s1 =	sand.u32 $0xFFFFFC00, s1;
	s2 =	sand.u32 $0x380, s2  }
0xb: {  	s27 =	sor.u32 s6, s2;
	s2 =	smov.u32 s8;
	s0 =	sadd.s32 s0, s1  }
0xc: {  	s2 =	simm.s32 @!p0 $0x4380;
	s1 =	sor.u32 s0, s27  }
0xd: {  	s2 =	sadd.s32 s15, s2;
	s28 =	smulhi.u32 $0xF0F0F0F1, s1  }
0xe: {  	s29 =	rddreg [dreg:$0x1];
	s0 =	smulhi.u32 $0xF0F0F0F1, s0;
	s15 =	sadd.s32 $0xFFFFBC80, s2  }
0xf: {  	s2 =	ssub.s32 $0x4400, s2;
	p0 =	sgt.s32 s15, $0x7F;
	s6 =	sshrl.u32 s28, $0xE  }
0x10: {  	s0 =	sshrl.u32 s0, $0xE;
	s2 =	simm.s32 @p0 $0x0;
	s6 =	smul.u32 $0x4400, s6  }
0x11: {  	s30 =	sor.u32 $0x8000, s16;
	s0 =	sand.u32 $0xF, s0;
	s2 =	smul.u32 s2, s14  }
0x12: {  	s31 =	simm.s32 $0x44000;
	s0 =	smul.u32 $0x880, s0;
	s1 =	ssub.s32 s1, s6  }
0x13: {  	s2 =	smul.u32 $0x55, s2;
	s6 =	sshrl.u32 s1, $0x3;
	s1 =	sand.u32 $0x7, s1  }
0x14: {  	s17 =	stileid.u32;
	s6 =	sadd.s32 s29, s6;
	s1 =	sshll.u32 s1, $0x12  }
0x15: {  	s2 =	sand.u32 $0x3FFFFFFF, s2;
	s0 =	sadd.s32 s0, s6;
	s1 =	sor.u32 $0x80, s1  }
0x16: {  	[hbm4b:s0+s1] =	stream.strided.scatter [tilespmem:s30], [sflag:$0x2], s2, s31, s1, $0x20;
	[tilespmem:$0x10100] =	vst v63  }
.LBB1_12:
0x17: {  	p0 =	slt.u32 s7, $0x2  }
0x18: {  	s1 =	smov.u32 s13;
	s2 =	smov.u32 s12;
	p1 =	sgt.s32 @!p0 s13, $0xF  }
0x19: {  	s0 =	sshra.s32 @!p0 s13, $0x1F;
	p2 =	sgt.s32 @!p0 s12, $0x4380;
	s6 =	sshra.s32 @!p0 s12, $0x1F  }
0x1a: {  	p1 =	por !p1, p0;
	s0 =	sand.u32 @!p0 s0, s13;
	p2 =	por !p2, p0  }
0x1b: {  	s6 =	sand.u32 @!p0 s6, s12;
	s1 =	simm.s32 @p1 $0xF;
	s2 =	simm.s32 @p2 $0x4380  }
0x1c: {  	s0 =	ssub.s32 @!p0 s1, s0;
	s1 =	ssub.s32 @!p0 s2, s6  }
0x1d: {  	s2 =	sadd.s32 @!p0 $0xFFFFFFF1, s0;
	s0 =	ssub.s32 @!p0 $0x10, s0;
	s6 =	sadd.s32 @!p0 $0xFFFFBC80, s1  }
0x1e: {  	p1 =	sgt.s32 @!p0 s2, $0x0;
	s0 =	smul.u32 @!p0 $0x55, s0;
	p2 =	sgt.s32 @!p0 s6, $0x7F  }
0x1f: {  	s1 =	ssub.s32 @!p0 $0x4400, s1;
	p1 =	por !p1, p0;
	p2 =	por !p2, p0  }
0x20: {  	s0 =	simm.s32 @!p1 $0x0;
	s1 =	simm.s32 @!p2 $0x0  }
0x21: {  	s0 =	smul.u32 @!p0 s1, s0;
	s1 =	sadd.s32 $0x100, s9  }
0x22: {  	s14 =	smov.u32 s11;
	s6 =	sadd.s32 $0x10, s11;
	p1 =	sgt.s32 s1, $0x43AF  }
0x23: {  	s14 =	smov.u32 @p1 s6  }
0x24: {  	s7 =	sadd.s32 $0x1, s7;
	s1 =	smov.u32 @p1 s5;
	p1 =	sgt.s32 s14, $0xF  }
0x25: {  	s14 =	smov.u32 @p1 s17;
	p1 =	sne.s32 s7, $0x46  }
.Ltmp1:
0x26: {  	_ = 	snop;
	(pc) =	sbr.rel @!p1 .LBB1_13-.Ltmp1, $4  }
0x27: {  	s12 =	smov.u32 s8;
	s2 =	simm.s32 @!p0 $0x2;
	s0 =	sand.u32 @!p0 $0x3FFFFFFF, s0  }
0x28: {  	s13 =	smov.u32 s10;
	s8 =	smov.u32 s9;
	_ =	swait.ge @!p0 [sflag:s2], s0  }
0x29: {  	s10 =	smov.u32 s11;
	s0 =	ssub.s32 @!p0 $0x0, s0;
	[sflag:s2] =	ssyncset.done @!p0 $0x0  }
0x2a: {  	s9 =	smov.u32 s1;
	[sflag:s2] =	ssyncadd.s32 @!p0 s0;
	s11 =	smov.u32 s14  }
.LBB1_1:
0x2b: {  	p0 =	sgt.u32 s7, $0x43;
	s2 =	smov.u32 s11  }
0x2c: {  	s15 =	smov.u32 s9;
	p1 =	sgt.s32 @!p0 s11, $0xF;
	s0 =	sand.u32 @!p0 $0x1FFFFFF, s9  }
0x2d: {  	s14 =	sshra.s32 @!p0 s11, $0x1F;
	s16 =	sshra.s32 @!p0 s9, $0x1F;
	p1 =	por !p1, p0  }
0x2e: {  	s6 =	smulhi.u32 @!p0 $0x7906DB, s0;
	s2 =	simm.s32 @p1 $0xF;
	p1 =	sgt.s32 @!p0 s9, $0x4330  }
0x2f: {  	s14 =	sand.u32 @!p0 s14, s11;
	s16 =	sand.u32 @!p0 s16, s9;
	p1 =	por !p1, p0  }
0x30: {  	s2 =	ssub.s32 @!p0 s2, s14;
	s6 =	sshrl.u32 @!p0 s6, $0x5;
	s15 =	simm.s32 @p1 $0x4330  }
0x31: {  	s2 =	sadd.s32 @!p0 $0xFFFFFFF1, s2;
	s6 =	smul.u32 @!p0 $0x43B0, s6;
	s14 =	ssub.s32 @!p0 s15, s16  }
0x32: {  	p1 =	sgt.s32 @!p0 s2, $0x0;
	s2 =	sshll.u32 @!p0 s2, $0x7;
	s15 =	sadd.s32 @!p0 $0xFFFFBCD0, s14  }
0x33: {  	s16 =	smul.u32 @!p0 $0x43B00, s11;
	s14 =	ssub.s32 @!p0 $0x43B0, s14;
	p2 =	sgt.s32 @!p0 s15, $0x7F  }
0x34: {  	s2 =	ssub.s32 @!p0 $0x80, s2;
	p1 =	por !p1, p0;
	p2 =	por !p2, p0  }
0x35: {  	s15 =	sxor.u32 @!p0 $0xFFFFFFFF, s7;
	s2 =	simm.s32 @!p1 $0x0;
	s14 =	simm.s32 @!p2 $0x0  }
0x36: {  	s0 =	ssub.s32 @!p0 s0, s6;
	s6 =	sshll.u32 @!p0 s15, $0xE;
	s2 =	smul.u32 @!p0 s14, s2  }
0x37: {  	s0 =	sshll.u32 @!p0 s0, $0x4;
	s6 =	sand.u32 @!p0 $0x4000, s6;
	s14 =	sadd.s32 @!p0 s3, s16  }
0x38: {  	s0 =	sadd.s32 @!p0 s0, s14;
	s14 =	simm.s32 @!p0 $0x0;
	s2 =	sand.u32 @!p0 $0x3FFFFF80, s2  }
0x39: {  	[tilespmem:s6], [sflag:$0x1] =	stream.linear.gather @!p0 [hbm4b:s0+s14], s2, $0x38;
	[tilespmem:$0x10100] =	vst v63  }
0x3a: {  	p0 =	seq.s32 s7, $0x0  }
0x3b: {  	p1 =	seq.s32 @!p0 s7, $0x45  }
0x3c: {  	p0 =	por p0, p1  }
.Ltmp2:
0x3d: {  	_ = 	snop;
	(pc) =	sbr.rel @p0 .LBB1_12-.Ltmp2, $1  }
0x3e: {  	_ =	sdelay $0x3  }
0x3f: {  	p0 =	sgt.s32 s10, $0xF  }
0x40: {  	s0 =	smov.u32 s10;
	s2 =	sshra.s32 s10, $0x1F;
	s6 =	ssub.s32 $0x0, s8  }
0x41: {  	s14 =	sshra.s32 s8, $0x1F;
	s0 =	simm.s32 @!p0 $0xF;
	s2 =	sand.u32 s2, s10  }
0x42: {  	s16 =	smov.u32 s8;
	p0 =	sgt.s32 s8, $0x4330;
	s0 =	ssub.s32 s0, s2  }
0x43: {  	s15 =	sand.u32 s6, s14;
	s16 =	simm.s32 @!p0 $0x4330;
	s2 =	sadd.s32 $0xFFFFFFF1, s0  }
0x44: {  	s6 =	sadd.s32 s15, s16;
	s14 =	ssub.s32 $0x10, s0;
	p0 =	sgt.s32 s2, $0x0  }
0x45: {  	s30 =	sadd.s32 $0xFFFFBCD0, s6;
	s0 =	ssub.s32 $0x43B0, s6;
	s2 =	sadd.s32 $0x1, s10  }
0x46: {  	s6 =	sadd.s32 $0x80, s8;
	s14 =	simm.s32 @p0 $0x0;
	p0 =	slt.s32 s2, $0x10  }
0x47: {  	s2 =	simm.s32 @!p0 $0x10;
	p0 =	slt.s32 s6, $0x43B0  }
0x48: {  	p1 =	sgt.s32 s30, $0x7F;
	s17 =	ssub.s32 s2, s10;
	s6 =	simm.s32 @!p0 $0x43B0  }
0x49: {  	s0 =	simm.s32 @p1 $0x0;
	s18 =	ssub.s32 s6, s8;
	p0 =	slt.s32 s17, $0x1  }
0x4a: {  	s0 =	smul.u32 s0, s14;
	p1 =	slt.s32 @!p0 s18, $0x1  }
0x4b: {  	p1 =	por p0, p1  }
.Ltmp3:
0x4c: {  	s0 =	sshll.u32 s0, $0x7;
	(pc) =	sbr.rel @p1 .LBB1_11-.Ltmp3, $4  }
0x4d: {  	s31 =	sand.u32 $0x3FFFFF80, s0  }
0x4e: {  	_ =	swait.ge [sflag:s4], s31  }
0x4f: {  	s0 =	sand.u32 $0x1, s7;
	s2 =	ssub.s32 $0x0, s31;
	[sflag:s4] =	ssyncset.done $0x0  }
0x50: {  	s16 =	smul.u32 $0x4080, s0;
	[sflag:s4] =	ssyncadd.s32 s2  }
0x51: {  	_ = 	snop  }
0x52: {  	s19 =	sshll.u32 @!p0 s0, $0xE;
	s22 =	simm.s32 $0x0;
	s20 =	sor.u32 @!p0 $0x8000, s16  }
.LBB1_4:
0x53: {  	s0 =	sshll.u32 s22, $0x10  }
0x54: {  	s0 =	sshra.s32 s0, $0x2  }
0x55: {  	s0 =	sadd.s32 s0, s19  }
0x56: {  	v0 =	vmov s0;
	_ =	sdelay $0x2  }
0x57: {  	s30 =	sand.u32 $0x7, s22  }
0x58: {  	s31 =	sand.u32 $0x3F80, s21;
	p1 =	sne.s32 s18, $0x1;
	s0 =	smul.u32 $0x204, s30  }
.Ltmp4:
0x59: {  	v11 =	vld.idx.msk [tilespmem:v0+s31+$0x0 ss:$0x1], $0xffff;
	(pc) =	sbr.rel @!p1 .LBB1_5-.Ltmp4, $4  }
0x5a: {  	s2 =	simm.s32 $0x1;
	s0 =	sshrl.u32 s0, $0x2;
	v8 =	vld.idx.msk [tilespmem:v0+s31+$0x10 ss:$0x1], $0xffff  }
0x5b: {  	s6 =	simm.s32 $0x80;
	p0 =	por $0x0, $0x0;
	s28 =	sadd.s32 s0, s20;
	v9 =	vld.idx.msk [tilespmem:v0+s31+$0x20 ss:$0x1], $0xffff  }
0x5c: {  	s0 =	sand.u32 $0x7F, s21;
	s26 =	sadd.s32 $0x810, s28;
	s27 =	sadd.s32 $0x1020, s28;
	v10 =	vld.idx.msk [tilespmem:v0+s31+$0x30 ss:$0x1], $0xffff  }
0x5d: {  	s25 =	sadd.s32 $0x1830, s28;
	s24 =	sadd.s32 $0x2040, s28;
	s23 =	sadd.s32 $0x2850, s28;
	v7 =	vld.idx.msk [tilespmem:v0+s31+$0x40 ss:$0x1], $0xffff  }
0x5e: {  	_ =	sdelay $0x3  }
0x5f: {  	s30 =	sand.u32 $0x3F80, s6;
	s1 =	sadd.s32 s0, s28;
	v1 =	vld.idx.msk [tilespmem:v0+s31+$0x50 ss:$0x1], $0xffff;
	p1 =	sne.s32 s18, $0x2  }
.Ltmp5:
0x60: {  	v2 =	vld.idx.msk [tilespmem:v0+s30+$0x0 ss:$0x1], $0xffff;
	[tilespmem:s1+$0x0 ss:$0x81] =	vst.msk $0xffff, v11;
	s1 =	sadd.s32 s0, s26;
	(pc) =	sbr.rel @!p1 .LBB1_7-.Ltmp5, $4  }
0x61: {  	v3 =	vld.idx.msk [tilespmem:v0+s30+$0x10 ss:$0x1], $0xffff;
	[tilespmem:s1+$0x0 ss:$0x81] =	vst.msk $0xffff, v8;
	s1 =	sadd.s32 s0, s27  }
0x62: {  	v4 =	vld.idx.msk [tilespmem:v0+s30+$0x20 ss:$0x1], $0xffff;
	[tilespmem:s1+$0x0 ss:$0x81] =	vst.msk $0xffff, v9;
	s1 =	sadd.s32 s0, s25  }
0x63: {  	s31 =	simm.s32 $0x2;
	s29 =	sand.u32 $0x7F, s2;
	v5 =	vld.idx.msk [tilespmem:v0+s30+$0x30 ss:$0x1], $0xffff;
	[tilespmem:s1+$0x0 ss:$0x81] =	vst.msk $0xffff, v10;
	s1 =	sadd.s32 s0, s24  }
0x64: {  	s2 =	simm.s32 $0x100;
	s6 =	sadd.s32 s0, s23;
	p0 =	por $0x1, $0x1;
	v6 =	vld.idx.msk [tilespmem:v0+s30+$0x40 ss:$0x1], $0xffff;
	[tilespmem:s1+$0x0 ss:$0x81] =	vst.msk $0xffff, v7  }
.LBB1_8:
0x65: {  	s1 =	smov.u32 s31;
	s31 =	sadd.s32 $0x1, s31  }
0x66: {  	s0 =	sadd.s32 s29, s28;
	[tilespmem:s6+$0x0 ss:$0x81] =	vst.msk $0xffff, v1;
	v1 =	vld.idx.msk [tilespmem:v0+s30+$0x50 ss:$0x1], $0xffff;
	s30 =	sand.u32 $0x3F80, s2;
	p1 =	sne.s32 s18, s31  }
.Ltmp6:
0x67: {  	[tilespmem:s0+$0x0 ss:$0x81] =	vst.msk $0xffff, v2;
	v2 =	vld.idx.msk [tilespmem:v0+s30+$0x0 ss:$0x1], $0xffff;
	s0 =	sadd.s32 s29, s26;
	(pc) =	sbr.rel @p1 .LBB1_8-.Ltmp6, $4  }
0x68: {  	[tilespmem:s0+$0x0 ss:$0x81] =	vst.msk $0xffff, v3;
	v3 =	vld.idx.msk [tilespmem:v0+s30+$0x10 ss:$0x1], $0xffff;
	s0 =	sadd.s32 s29, s27  }
0x69: {  	[tilespmem:s0+$0x0 ss:$0x81] =	vst.msk $0xffff, v4;
	v4 =	vld.idx.msk [tilespmem:v0+s30+$0x20 ss:$0x1], $0xffff;
	s0 =	sadd.s32 s29, s25  }
0x6a: {  	[tilespmem:s0+$0x0 ss:$0x81] =	vst.msk $0xffff, v5;
	v5 =	vld.idx.msk [tilespmem:v0+s30+$0x30 ss:$0x1], $0xffff;
	s0 =	sadd.s32 s29, s24  }
0x6b: {  	s2 =	sadd.s32 $0x80, s2;
	s6 =	sadd.s32 s29, s23;
	s29 =	sand.u32 $0x7F, s1;
	[tilespmem:s0+$0x0 ss:$0x81] =	vst.msk $0xffff, v6;
	v6 =	vld.idx.msk [tilespmem:v0+s30+$0x40 ss:$0x1], $0xffff  }
0x6c: {  	_ =	sdelay $0x3  }
0x6d: {  	s0 =	smov.u32 s29;
	s31 =	smov.u32 s30;
	v11 =	vmovc v2;
	v8 =	vmovc v3;
	v9 =	vmov v4;
	v10 =	vmov v5;
	v7 =	vmov v6  }
.LBB1_10:
0x6e: {  	_ =	sdelay $0x2  }
0x6f: {  	s1 =	sadd.s32 s0, s28;
	[tilespmem:s6+$0x0 ss:$0x81] =	vst.msk @p0 $0xffff, v1;
	s22 =	sadd.s32 $0x1, s22  }
0x70: {  	v0 =	vld.idx.msk [tilespmem:v0+s31+$0x50 ss:$0x1], $0xffff;
	s26 =	sadd.s32 s0, s26;
	[tilespmem:s1+$0x0 ss:$0x81] =	vst.msk $0xffff, v11;
	p0 =	sne.s32 s22, s17  }
.Ltmp7:
0x71: {  	s28 =	sadd.s32 s0, s27;
	[tilespmem:s26+$0x0 ss:$0x81] =	vst.msk $0xffff, v8;
	(pc) =	sbr.rel @p0 .LBB1_4-.Ltmp7, $4  }
.Ltmp8:
0x72: {  	s29 =	sadd.s32 s0, s25;
	[tilespmem:s28+$0x0 ss:$0x81] =	vst.msk $0xffff, v9;
	(pc) =	sbr.rel @!p0 .LBB1_11-.Ltmp8, $4  }
0x73: {  	s30 =	sadd.s32 s0, s24;
	[tilespmem:s29+$0x0 ss:$0x81] =	vst.msk $0xffff, v10  }
0x74: {  	s31 =	sadd.s32 s0, s23;
	[tilespmem:s30+$0x0 ss:$0x81] =	vst.msk $0xffff, v7  }
0x75: {  	[tilespmem:s31+$0x0 ss:$0x81] =	vst.msk $0xffff, v0  }
0x76: {  	_ = 	snop  }
.LBB1_5:
.Ltmp9:
0x77: {  	(pc) =	sbr.rel .LBB1_10-.Ltmp9, $2  }
0x78: {  	_ =	sdelay $0x2  }
0x79: {  	_ = 	snop  }
.LBB1_7:
.Ltmp10:
0x7a: {  	_ = 	snop;
	(pc) =	sbr.rel .LBB1_10-.Ltmp10, $2  }
0x7b: {  	_ =	sdelay $0x2  }
0x7c: {  	s0 =	smov.u32 s29;
	s31 =	smov.u32 s30;
	v11 =	vmovc v2;
	v8 =	vmovc v3;
	v9 =	vmov v4;
	v10 =	vmov v5;
	v7 =	vmov v6  }
.LBB1_13:
0x7d: {  	_ =	sfence.sel $0x180000  }
0x7e: {  	s0 =	simm.s32 $0x1;
	[bflag:$0x0] =	sbarrier.arrive $0xFFFF  }
0x7f: {  	s31 =	simm.s32 $0x2;
	[sflag:s0] =	ssyncpa.u1 $0x1  }
0x80: {  	[sflag:s31] =	ssyncpa.u1 $0x1  }
0x81: {  	_ =	strace $0x90000047  }
0x82: {  	[bflag:$0x2] =	sbarrier.arrive $0xFFFF  }
0x83: {  	p0 =	sne.s32 s17, $0x0;
	s0 =	rddreg [dreg:$0x2]  }
0x84: {  	s0 =	sadd.s32 @!p0 $0x100000, s0  }
0x85: {  	[sflag:s0] =	ssyncadd.tile.s32 @!p0 $0x1;
	_ =	shalt  }
.Lfunc_end1:
_tile_overlayer_lowered:
.L_overlay_start_2:
0x86: {  	(tag) =	ssettag $0x2  }
0x87: {  	s0 =	rddreg [dreg:$0x0];
	s2 =	stileid.u32  }
0x88: {  	s1 =	rddreg [dreg:$0x1];
	p0 =	sne.s32 s2, $0x0  }
0x89: {  	s3 =	rddreg [dreg:$0x2];
	[bflag:$0x3] =	sbarrier.arrive $0xFFFF;
	s2 =	simm.s32 @!p0 $0x1C01  }
0x8a: {  	[timem:s3], [sflag:s2] =	dma.local @!p0 [hbm:s0], s1  }
0x8b: {  	s0 =	simm.s32 @!p0 $0x1  }
0x8c: {  	_ =	swait.ge @!p0 [sflag:s0], s1  }
0x8d: {  	s1 =	ssub.s32 @!p0 $0x0, s1;
	[sflag:s0] =	ssyncset.done @!p0 $0x0  }
0x8e: {  	[sflag:s0] =	ssyncadd.s32 @!p0 s1  }
0x8f: {  	[bflag:$0x3] =	sbarrier.arrive $0xFFFF  }
0x90: {  	_ =	shalt  }

</sc_bundles>
